<compile_context>
chip_gen: v7x
topology: tpu7x:2x2x1
jax: 0.10.2.dev20260603
libtpu: 0.0.44.dev20260713+nightly
codegen_flags: <defaults>
</compile_context>

<pallas_src>
import functools

import jax
import jax.numpy as jnp
from jax import lax
from jax.experimental import pallas as pl
from jax.experimental.pallas import tpu as pltpu
from jax.experimental.pallas import tpu_sc as plsc

_B = 16384
_F = 26
_V = 1000000
_D = 32
_BN_EPS = 1e-3
_N = _B * _F
_NSPLIT = 2
_CH = 832


@functools.cache
def _make_gather(n):
  info = plsc.get_sparse_core_info()
  nc, ns = info.num_cores, info.num_subcores
  nw = nc * ns
  per_w = n // nw
  n_ch = per_w // _CH
  assert per_w % _CH == 0

  mesh = plsc.VectorSubcoreMesh(core_axis_name="c", subcore_axis_name="s")

  @functools.partial(
      pl.kernel,
      mesh=mesh,
      compiler_params=pltpu.CompilerParams(use_tc_tiling_on_sc=False),
      out_type=(
          jax.ShapeDtypeStruct((n, _D), jnp.float32),
          jax.ShapeDtypeStruct((n,), jnp.float32),
      ),
      scratch_types=[
          pltpu.VMEM((_CH,), jnp.int32),
          pltpu.VMEM((_CH, _D), jnp.float32),
          pltpu.VMEM((_CH,), jnp.float32),
          pltpu.SemaphoreType.DMA,
          pltpu.SemaphoreType.DMA,
      ],
  )
  def gather(emb_hbm, fw_hbm, idx_hbm, emb_out, fw_out,
             idx_v, rows_v, fw_v, sem_e, sem_f):
    wid = lax.axis_index("s") * nc + lax.axis_index("c")

    def body(c, carry):
      base = wid * per_w + c * _CH
      pltpu.sync_copy(idx_hbm.at[pl.ds(base, _CH)], idx_v)
      cp_e = pltpu.async_copy(emb_hbm.at[idx_v], rows_v, sem_e)
      cp_f = pltpu.async_copy(fw_hbm.at[idx_v], fw_v, sem_f)
      cp_e.wait()
      cp_f.wait()
      pltpu.sync_copy(rows_v, emb_out.at[pl.ds(base, _CH)])
      pltpu.sync_copy(fw_v, fw_out.at[pl.ds(base, _CH)])
      return carry

    lax.fori_loop(0, n_ch, body, 0)

  return gather


def _mlp_body(emb_ref, fv_ref, fw_ref, e_ref, s_ref,
              w0_ref, b0_ref, w1_ref, b1_ref, w2_ref, b2_ref,
              wo1_ref, wo2_ref, wo3_ref, bo_ref, out_ref):
  fv = fv_ref[...]
  fve = jnp.dot(fv, e_ref[...], preferred_element_type=jnp.float32)
  ev = emb_ref[...] * fve
  s1 = jnp.dot(ev, s_ref[...], preferred_element_type=jnp.float32)
  s2 = jnp.dot(ev * ev, s_ref[...], preferred_element_type=jnp.float32)
  fm2 = 0.5 * (s1 * s1 - s2)
  d = jnp.maximum(
      jnp.dot(ev, w0_ref[...], preferred_element_type=jnp.float32)
      + b0_ref[...], 0.0)
  d = jnp.maximum(
      jnp.dot(d, w1_ref[...], preferred_element_type=jnp.float32)
      + b1_ref[...], 0.0)
  d = jnp.maximum(
      jnp.dot(d, w2_ref[...], preferred_element_type=jnp.float32)
      + b2_ref[...], 0.0)
  fm1 = fv * fw_ref[...]
  logit = (jnp.sum(fm1 * wo1_ref[...], axis=1, keepdims=True)
           + jnp.sum(fm2 * wo2_ref[...], axis=1, keepdims=True)
           + jnp.sum(d * wo3_ref[...], axis=1, keepdims=True)
           + bo_ref[...])
  out_ref[...] = 1.0 / (1.0 + jnp.exp(-logit))


def kernel(feature_index, feature_value, fw_table, emb_table,
           W0, b0, g0, be0, W1, b1, g1, be1, W2, b2, g2, be2,
           Wout, bout):
  s = 1.0 / jnp.sqrt(jnp.float32(1.0 + _BN_EPS))
  w0 = W0 * (g0 * s)[None, :]
  bb0 = (b0 * s * g0 + be0)[None, :]
  w1 = W1 * (g1 * s)[None, :]
  bb1 = (b1 * s * g1 + be1)[None, :]
  w2 = W2 * (g2 * s)[None, :]
  bb2 = (b2 * s * g2 + be2)[None, :]

  eye_f = jnp.eye(_F, dtype=jnp.float32)
  e_mat = jnp.kron(eye_f, jnp.ones((1, _D), jnp.float32))
  s_mat = jnp.tile(jnp.eye(_D, dtype=jnp.float32), (_F, 1))
  wo1 = Wout[:_F].reshape(1, _F)
  wo2 = Wout[_F:_F + _D].reshape(1, _D)
  wo3 = Wout[_F + _D:].reshape(1, _D)
  bo = bout.reshape(1, 1)

  r = 256
  fd = _F * _D
  bs = _B // _NSPLIT
  ns = bs * _F
  fw_flat = fw_table.reshape(-1)
  full = lambda shape: pl.BlockSpec(shape, lambda i: (0, 0))
  gather = _make_gather(ns)

  outs = []
  for k in range(_NSPLIT):
    fv_k = lax.slice_in_dim(feature_value, k * bs, (k + 1) * bs, axis=0)
    idx_k = lax.slice_in_dim(feature_index, k * bs, (k + 1) * bs,
                             axis=0).reshape(-1)
    emb_rows, fw_rows = gather(emb_table, fw_flat, idx_k)
    emb_flat = emb_rows.reshape(bs, fd)
    fw = fw_rows.reshape(bs, _F)
    out_k = pl.pallas_call(
        _mlp_body,
        grid=(bs // r,),
        in_specs=[
            pl.BlockSpec((r, fd), lambda i: (i, 0)),
            pl.BlockSpec((r, _F), lambda i: (i, 0)),
            pl.BlockSpec((r, _F), lambda i: (i, 0)),
            full((_F, fd)),
            full((fd, _D)),
            full((fd, 128)),
            full((1, 128)),
            full((128, 64)),
            full((1, 64)),
            full((64, 32)),
            full((1, 32)),
            full((1, _F)),
            full((1, _D)),
            full((1, _D)),
            full((1, 1)),
        ],
        out_specs=pl.BlockSpec((r, 1), lambda i: (i, 0)),
        out_shape=jax.ShapeDtypeStruct((bs, 1), jnp.float32),
    )(emb_flat, fv_k, fw, e_mat, s_mat,
      w0, bb0, w1, bb1, w2, bb2, wo1, wo2, wo3, bo)
    outs.append(out_k)
  return jnp.concatenate(outs, axis=0)

# --- scband reference (transcript-rebuilt; emitter-appended) ---
"""Pipeline reference for scband-deep-fm-86157043958075 (READ-ONLY COPY).

The authoritative reference and input builder live on the scoring server;
editing this copy changes nothing except your own understanding.
"""

import jax, jax.numpy as jnp
import numpy as np

B = 16384
F = 26
V = 1000000
D = 32
SIZES = [128, 64, 32]
BN_EPS = 1e-3


def setup_inputs(seed: int = 0) -> dict:
    key = jax.random.key(seed)
    ks = jax.random.split(key, 16)
    inp = {}
    inp["feature_index"] = jax.random.randint(ks[0], (B, F), 0, V, dtype=jnp.int32)
    inp["feature_value"] = jax.random.uniform(ks[1], (B, F), dtype=jnp.float32)
    inp["fw_table"] = jax.random.normal(ks[2], (V, 1), dtype=jnp.float32) * 0.05
    inp["emb_table"] = jax.random.normal(ks[3], (V, D), dtype=jnp.float32) * 0.05
    dims = [F * D] + SIZES
    for i in range(len(SIZES)):
        inp[f"W{i}"] = jax.random.normal(ks[4 + 2 * i], (dims[i], dims[i + 1]), dtype=jnp.float32) * (1.0 / np.sqrt(dims[i]))
        inp[f"b{i}"] = jnp.zeros((dims[i + 1],), dtype=jnp.float32)
        inp[f"g{i}"] = jnp.ones((dims[i + 1],), dtype=jnp.float32)
        inp[f"be{i}"] = jnp.zeros((dims[i + 1],), dtype=jnp.float32)
    cdim = F + D + SIZES[-1]
    inp["Wout"] = jax.random.normal(ks[12], (cdim, 1), dtype=jnp.float32) * (1.0 / np.sqrt(cdim))
    inp["bout"] = jnp.zeros((1,), dtype=jnp.float32)
    return inp


def reference(feature_index, feature_value, fw_table, emb_table,
              W0, b0, g0, be0, W1, b1, g1, be1, W2, b2, g2, be2,
              Wout, bout):
    # feature_value -> [B, F, 1]
    fv = feature_value[..., None]
    # FM first-order: gather 1-dim weights, multiply, reduce over last axis
    first_w = fw_table[feature_index]              # [B, F, 1]
    fm_first = jnp.sum(first_w * fv, axis=2)       # [B, F]
    # Embedding lookup
    emb = emb_table[feature_index]                 # [B, F, D]
    ev = emb * fv                                  # [B, F, D]
    # FM second-order interactions
    summed = jnp.sum(ev, axis=1)                   # [B, D]
    part1 = summed ** 2
    part2 = jnp.sum(ev ** 2, axis=1)
    fm_second = 0.5 * (part1 - part2)              # [B, D]
    # Deep component (dropout is identity at rate 0 / inference)
    deep = ev.reshape(-1, F * D)
    for W, b, g, be in ((W0, b0, g0, be0), (W1, b1, g1, be1), (W2, b2, g2, be2)):
        deep = deep @ W + b
        # BatchNorm in inference mode: moving_mean=0, moving_var=1
        deep = (deep - 0.0) / jnp.sqrt(1.0 + BN_EPS) * g + be
        deep = jax.nn.relu(deep)
    concat = jnp.concatenate((fm_first, fm_second, deep), axis=1)  # [B, F+D+32]
    out = jax.nn.sigmoid(concat @ Wout + bout)     # [B, 1]
    return out

if __name__ == "__main__":
    import jax
    _d = setup_inputs()
    print(jax.jit(kernel)(*tuple(_d.values())))

</pallas_src>

<mosaic_0001>
#map = affine_map<(d0, d1) -> (0, 0)>
#map1 = affine_map<(d0, d1) -> (0)>
module attributes {stable_mosaic.version = 14 : i64} {
  func.func @gather(%arg0: i32, %arg1: i32, %arg2: memref<1000000x32xf32, #tpu.memory_space<hbm>>, %arg3: memref<1000000xf32, #tpu.memory_space<hbm>>, %arg4: memref<212992xi32, #tpu.memory_space<hbm>>, %arg5: memref<212992x32xf32, #tpu.memory_space<hbm>>, %arg6: memref<212992xf32, #tpu.memory_space<hbm>>, %arg7: memref<832xi32, #tpu.memory_space<vmem>>, %arg8: memref<832x32xf32, #tpu.memory_space<vmem>>, %arg9: memref<832xf32, #tpu.memory_space<vmem>>, %arg10: memref<!tpu.dma_semaphore, #tpu.memory_space<semaphore_mem>>, %arg11: memref<!tpu.dma_semaphore, #tpu.memory_space<semaphore_mem>>) attributes {dimension_semantics = [#tpu.dimension_semantics<core_parallel>, #tpu.dimension_semantics<subcore_parallel>], iteration_bounds = array<i64: 2, 16>, scalar_prefetch = 0 : i64, scratch_operands = 5 : i64, tpu.core_type = #tpu.core_type<sc_vector_subcore>, window_params = [{transform_indices = #map}, {transform_indices = #map1}, {transform_indices = #map1}, {transform_indices = #map}, {transform_indices = #map1}]} {
    %mul3A = arith.constant 2 : i32
    %mul3A_0 = arith.muli %arg1, %mul3A : i32
    %add3A = arith.addi %mul3A_0, %arg0 : i32
    %scan3A = arith.constant 0 : i32
    %scan3A_1 = arith.constant 0 : i32
    %scan3A_2 = arith.constant 8 : i32
    %scan3A_3 = arith.addi %scan3A_1, %scan3A_2 : i32
    %scan3A_4 = arith.constant 1 : i32
    scf.for %scan3A_6 = %scan3A_1 to %scan3A_3 step %scan3A_4  : i32 {
      %mul3A_7 = arith.constant 6656 : i32
      %mul3A_8 = arith.muli %add3A, %mul3A_7 : i32
      %mul3A_9 = arith.constant 832 : i32
      %mul3A_10 = arith.muli %scan3A_6, %mul3A_9 : i32
      %add3A_11 = arith.addi %mul3A_8, %mul3A_10 : i32
      "tpu.region"() ({
        %run_scoped3A = tpu.sem_alloc : memref<!tpu.dma_semaphore, #tpu.memory_space<semaphore_mem>>
        %dma_start3A_20 = tpu.memref_slice %arg4[%add3A_11] : memref<212992xi32, #tpu.memory_space<hbm>> -> memref<832xi32, #tpu.memory_space<hbm>>
        %dma_start3A_21 = tpu.memref_slice %arg4[%add3A_11] : memref<212992xi32, #tpu.memory_space<hbm>> -> memref<832xi32, #tpu.memory_space<hbm>>
        tpu.enqueue_dma source(%dma_start3A_21 : memref<832xi32, #tpu.memory_space<hbm>>) target(%arg7 : memref<832xi32, #tpu.memory_space<vmem>>) target_semaphore(%run_scoped3A : memref<!tpu.dma_semaphore, #tpu.memory_space<semaphore_mem>>)
        %dma_wait3A_22 = tpu.memref_slice %arg4[%add3A_11] : memref<212992xi32, #tpu.memory_space<hbm>> -> memref<832xi32, #tpu.memory_space<hbm>>
        %dma_wait3A_23 = tpu.memref_slice %arg4[%add3A_11] : memref<212992xi32, #tpu.memory_space<hbm>> -> memref<832xi32, #tpu.memory_space<hbm>>
        tpu.wait_dma2 semaphore(%run_scoped3A : memref<!tpu.dma_semaphore, #tpu.memory_space<semaphore_mem>>) src(%dma_wait3A_23 : memref<832xi32, #tpu.memory_space<hbm>>) dst(%arg7 : memref<832xi32, #tpu.memory_space<vmem>>)
        tpu.yield
      }) : () -> ()
      %dma_start3A = arith.constant 0 : i32
      %dma_start3A_12 = arith.constant 0 : i32
      %dma_start3A_13 = tpu.memref_slice %arg2[%dma_start3A, %dma_start3A_12] : memref<1000000x32xf32, #tpu.memory_space<hbm>> -> memref<1000000x32xf32, #tpu.memory_space<hbm>>
      tpu.enqueue_indirect_dma source(%dma_start3A_13 : memref<1000000x32xf32, #tpu.memory_space<hbm>>) target(%arg8 : memref<832x32xf32, #tpu.memory_space<vmem>>) offsets(%arg7 : memref<832xi32, #tpu.memory_space<vmem>>) semaphore(%arg10 : memref<!tpu.dma_semaphore, #tpu.memory_space<semaphore_mem>>)
      %dma_start3A_14 = arith.constant 0 : i32
      %dma_start3A_15 = tpu.memref_slice %arg3[%dma_start3A_14] : memref<1000000xf32, #tpu.memory_space<hbm>> -> memref<1000000xf32, #tpu.memory_space<hbm>>
      tpu.enqueue_indirect_dma source(%dma_start3A_15 : memref<1000000xf32, #tpu.memory_space<hbm>>) target(%arg9 : memref<832xf32, #tpu.memory_space<vmem>>) offsets(%arg7 : memref<832xi32, #tpu.memory_space<vmem>>) semaphore(%arg11 : memref<!tpu.dma_semaphore, #tpu.memory_space<semaphore_mem>>)
      %dma_wait3A = arith.constant 0 : i32
      %dma_wait3A_16 = arith.constant 0 : i32
      %dma_wait3A_17 = tpu.memref_slice %arg2[%dma_wait3A, %dma_wait3A_16] : memref<1000000x32xf32, #tpu.memory_space<hbm>> -> memref<1000000x32xf32, #tpu.memory_space<hbm>>
      tpu.wait_indirect_dma semaphore(%arg10 : memref<!tpu.dma_semaphore, #tpu.memory_space<semaphore_mem>>) src(%dma_wait3A_17 : memref<1000000x32xf32, #tpu.memory_space<hbm>>) dst(%arg8 : memref<832x32xf32, #tpu.memory_space<vmem>>)
      %dma_wait3A_18 = arith.constant 0 : i32
      %dma_wait3A_19 = tpu.memref_slice %arg3[%dma_wait3A_18] : memref<1000000xf32, #tpu.memory_space<hbm>> -> memref<1000000xf32, #tpu.memory_space<hbm>>
      tpu.wait_indirect_dma semaphore(%arg11 : memref<!tpu.dma_semaphore, #tpu.memory_space<semaphore_mem>>) src(%dma_wait3A_19 : memref<1000000xf32, #tpu.memory_space<hbm>>) dst(%arg9 : memref<832xf32, #tpu.memory_space<vmem>>)
      "tpu.region"() ({
        %run_scoped3A = tpu.sem_alloc : memref<!tpu.dma_semaphore, #tpu.memory_space<semaphore_mem>>
        %dma_start3A_20 = arith.constant 0 : i32
        %dma_start3A_21 = tpu.memref_slice %arg5[%add3A_11, %dma_start3A_20] : memref<212992x32xf32, #tpu.memory_space<hbm>> -> memref<832x32xf32, #tpu.memory_space<hbm>>
        %dma_start3A_22 = arith.constant 0 : i32
        %dma_start3A_23 = tpu.memref_slice %arg5[%add3A_11, %dma_start3A_22] : memref<212992x32xf32, #tpu.memory_space<hbm>> -> memref<832x32xf32, #tpu.memory_space<hbm>>
        tpu.enqueue_dma source(%arg8 : memref<832x32xf32, #tpu.memory_space<vmem>>) target(%dma_start3A_23 : memref<832x32xf32, #tpu.memory_space<hbm>>) target_semaphore(%run_scoped3A : memref<!tpu.dma_semaphore, #tpu.memory_space<semaphore_mem>>)
        %dma_wait3A_24 = arith.constant 0 : i32
        %dma_wait3A_25 = tpu.memref_slice %arg5[%add3A_11, %dma_wait3A_24] : memref<212992x32xf32, #tpu.memory_space<hbm>> -> memref<832x32xf32, #tpu.memory_space<hbm>>
        %dma_wait3A_26 = arith.constant 0 : i32
        %dma_wait3A_27 = tpu.memref_slice %arg5[%add3A_11, %dma_wait3A_26] : memref<212992x32xf32, #tpu.memory_space<hbm>> -> memref<832x32xf32, #tpu.memory_space<hbm>>
        tpu.wait_dma2 semaphore(%run_scoped3A : memref<!tpu.dma_semaphore, #tpu.memory_space<semaphore_mem>>) src(%arg8 : memref<832x32xf32, #tpu.memory_space<vmem>>) dst(%dma_wait3A_27 : memref<832x32xf32, #tpu.memory_space<hbm>>)
        tpu.yield
      }) : () -> ()
      "tpu.region"() ({
        %run_scoped3A = tpu.sem_alloc : memref<!tpu.dma_semaphore, #tpu.memory_space<semaphore_mem>>
        %dma_start3A_20 = tpu.memref_slice %arg6[%add3A_11] : memref<212992xf32, #tpu.memory_space<hbm>> -> memref<832xf32, #tpu.memory_space<hbm>>
        %dma_start3A_21 = tpu.memref_slice %arg6[%add3A_11] : memref<212992xf32, #tpu.memory_space<hbm>> -> memref<832xf32, #tpu.memory_space<hbm>>
        tpu.enqueue_dma source(%arg9 : memref<832xf32, #tpu.memory_space<vmem>>) target(%dma_start3A_21 : memref<832xf32, #tpu.memory_space<hbm>>) target_semaphore(%run_scoped3A : memref<!tpu.dma_semaphore, #tpu.memory_space<semaphore_mem>>)
        %dma_wait3A_22 = tpu.memref_slice %arg6[%add3A_11] : memref<212992xf32, #tpu.memory_space<hbm>> -> memref<832xf32, #tpu.memory_space<hbm>>
        %dma_wait3A_23 = tpu.memref_slice %arg6[%add3A_11] : memref<212992xf32, #tpu.memory_space<hbm>> -> memref<832xf32, #tpu.memory_space<hbm>>
        tpu.wait_dma2 semaphore(%run_scoped3A : memref<!tpu.dma_semaphore, #tpu.memory_space<semaphore_mem>>) src(%arg9 : memref<832xf32, #tpu.memory_space<vmem>>) dst(%dma_wait3A_23 : memref<832xf32, #tpu.memory_space<hbm>>)
        tpu.yield
      }) : () -> ()
    }
    %scan3A_5 = arith.constant 8 : i32
    return
  }
}

#map = affine_map<(d0, d1) -> (0, 0)>
#map1 = affine_map<(d0, d1) -> (0)>
module attributes {stable_mosaic.version = 14 : i64} {
  func.func @gather(%arg0: i32, %arg1: i32, %arg2: memref<1000000x32xf32, #tpu.memory_space<hbm>>, %arg3: memref<1000000xf32, #tpu.memory_space<hbm>>, %arg4: memref<212992xi32, #tpu.memory_space<hbm>>, %arg5: memref<212992x32xf32, #tpu.memory_space<hbm>>, %arg6: memref<212992xf32, #tpu.memory_space<hbm>>, %arg7: memref<832xi32, #tpu.memory_space<vmem>>, %arg8: memref<832x32xf32, #tpu.memory_space<vmem>>, %arg9: memref<832xf32, #tpu.memory_space<vmem>>, %arg10: memref<!tpu.dma_semaphore, #tpu.memory_space<semaphore_mem>>, %arg11: memref<!tpu.dma_semaphore, #tpu.memory_space<semaphore_mem>>) attributes {dimension_semantics = [#tpu.dimension_semantics<core_parallel>, #tpu.dimension_semantics<subcore_parallel>], iteration_bounds = array<i64: 2, 16>, scalar_prefetch = 0 : i64, scratch_operands = 5 : i64, tpu.core_type = #tpu.core_type<sc_vector_subcore>, window_params = [{transform_indices = #map}, {transform_indices = #map1}, {transform_indices = #map1}, {transform_indices = #map}, {transform_indices = #map1}]} {
    %mul3A = arith.constant 2 : i32
    %mul3A_0 = arith.muli %arg1, %mul3A : i32
    %add3A = arith.addi %mul3A_0, %arg0 : i32
    %scan3A = arith.constant 0 : i32
    %scan3A_1 = arith.constant 0 : i32
    %scan3A_2 = arith.constant 8 : i32
    %scan3A_3 = arith.addi %scan3A_1, %scan3A_2 : i32
    %scan3A_4 = arith.constant 1 : i32
    scf.for %scan3A_6 = %scan3A_1 to %scan3A_3 step %scan3A_4  : i32 {
      %mul3A_7 = arith.constant 6656 : i32
      %mul3A_8 = arith.muli %add3A, %mul3A_7 : i32
      %mul3A_9 = arith.constant 832 : i32
      %mul3A_10 = arith.muli %scan3A_6, %mul3A_9 : i32
      %add3A_11 = arith.addi %mul3A_8, %mul3A_10 : i32
      "tpu.region"() ({
        %run_scoped3A = tpu.sem_alloc : memref<!tpu.dma_semaphore, #tpu.memory_space<semaphore_mem>>
        %dma_start3A_20 = tpu.memref_slice %arg4[%add3A_11] : memref<212992xi32, #tpu.memory_space<hbm>> -> memref<832xi32, #tpu.memory_space<hbm>>
        %dma_start3A_21 = tpu.memref_slice %arg4[%add3A_11] : memref<212992xi32, #tpu.memory_space<hbm>> -> memref<832xi32, #tpu.memory_space<hbm>>
        tpu.enqueue_dma source(%dma_start3A_21 : memref<832xi32, #tpu.memory_space<hbm>>) target(%arg7 : memref<832xi32, #tpu.memory_space<vmem>>) target_semaphore(%run_scoped3A : memref<!tpu.dma_semaphore, #tpu.memory_space<semaphore_mem>>)
        %dma_wait3A_22 = tpu.memref_slice %arg4[%add3A_11] : memref<212992xi32, #tpu.memory_space<hbm>> -> memref<832xi32, #tpu.memory_space<hbm>>
        %dma_wait3A_23 = tpu.memref_slice %arg4[%add3A_11] : memref<212992xi32, #tpu.memory_space<hbm>> -> memref<832xi32, #tpu.memory_space<hbm>>
        tpu.wait_dma2 semaphore(%run_scoped3A : memref<!tpu.dma_semaphore, #tpu.memory_space<semaphore_mem>>) src(%dma_wait3A_23 : memref<832xi32, #tpu.memory_space<hbm>>) dst(%arg7 : memref<832xi32, #tpu.memory_space<vmem>>)
        tpu.yield
      }) : () -> ()
      %dma_start3A = arith.constant 0 : i32
      %dma_start3A_12 = arith.constant 0 : i32
      %dma_start3A_13 = tpu.memref_slice %arg2[%dma_start3A, %dma_start3A_12] : memref<1000000x32xf32, #tpu.memory_space<hbm>> -> memref<1000000x32xf32, #tpu.memory_space<hbm>>
      tpu.enqueue_indirect_dma source(%dma_start3A_13 : memref<1000000x32xf32, #tpu.memory_space<hbm>>) target(%arg8 : memref<832x32xf32, #tpu.memory_space<vmem>>) offsets(%arg7 : memref<832xi32, #tpu.memory_space<vmem>>) semaphore(%arg10 : memref<!tpu.dma_semaphore, #tpu.memory_space<semaphore_mem>>)
      %dma_start3A_14 = arith.constant 0 : i32
      %dma_start3A_15 = tpu.memref_slice %arg3[%dma_start3A_14] : memref<1000000xf32, #tpu.memory_space<hbm>> -> memref<1000000xf32, #tpu.memory_space<hbm>>
      tpu.enqueue_indirect_dma source(%dma_start3A_15 : memref<1000000xf32, #tpu.memory_space<hbm>>) target(%arg9 : memref<832xf32, #tpu.memory_space<vmem>>) offsets(%arg7 : memref<832xi32, #tpu.memory_space<vmem>>) semaphore(%arg11 : memref<!tpu.dma_semaphore, #tpu.memory_space<semaphore_mem>>)
      %dma_wait3A = arith.constant 0 : i32
      %dma_wait3A_16 = arith.constant 0 : i32
      %dma_wait3A_17 = tpu.memref_slice %arg2[%dma_wait3A, %dma_wait3A_16] : memref<1000000x32xf32, #tpu.memory_space<hbm>> -> memref<1000000x32xf32, #tpu.memory_space<hbm>>
      tpu.wait_indirect_dma semaphore(%arg10 : memref<!tpu.dma_semaphore, #tpu.memory_space<semaphore_mem>>) src(%dma_wait3A_17 : memref<1000000x32xf32, #tpu.memory_space<hbm>>) dst(%arg8 : memref<832x32xf32, #tpu.memory_space<vmem>>)
      %dma_wait3A_18 = arith.constant 0 : i32
      %dma_wait3A_19 = tpu.memref_slice %arg3[%dma_wait3A_18] : memref<1000000xf32, #tpu.memory_space<hbm>> -> memref<1000000xf32, #tpu.memory_space<hbm>>
      tpu.wait_indirect_dma semaphore(%arg11 : memref<!tpu.dma_semaphore, #tpu.memory_space<semaphore_mem>>) src(%dma_wait3A_19 : memref<1000000xf32, #tpu.memory_space<hbm>>) dst(%arg9 : memref<832xf32, #tpu.memory_space<vmem>>)
      "tpu.region"() ({
        %run_scoped3A = tpu.sem_alloc : memref<!tpu.dma_semaphore, #tpu.memory_space<semaphore_mem>>
        %dma_start3A_20 = arith.constant 0 : i32
        %dma_start3A_21 = tpu.memref_slice %arg5[%add3A_11, %dma_start3A_20] : memref<212992x32xf32, #tpu.memory_space<hbm>> -> memref<832x32xf32, #tpu.memory_space<hbm>>
        %dma_start3A_22 = arith.constant 0 : i32
        %dma_start3A_23 = tpu.memref_slice %arg5[%add3A_11, %dma_start3A_22] : memref<212992x32xf32, #tpu.memory_space<hbm>> -> memref<832x32xf32, #tpu.memory_space<hbm>>
        tpu.enqueue_dma source(%arg8 : memref<832x32xf32, #tpu.memory_space<vmem>>) target(%dma_start3A_23 : memref<832x32xf32, #tpu.memory_space<hbm>>) target_semaphore(%run_scoped3A : memref<!tpu.dma_semaphore, #tpu.memory_space<semaphore_mem>>)
        %dma_wait3A_24 = arith.constant 0 : i32
        %dma_wait3A_25 = tpu.memref_slice %arg5[%add3A_11, %dma_wait3A_24] : memref<212992x32xf32, #tpu.memory_space<hbm>> -> memref<832x32xf32, #tpu.memory_space<hbm>>
        %dma_wait3A_26 = arith.constant 0 : i32
        %dma_wait3A_27 = tpu.memref_slice %arg5[%add3A_11, %dma_wait3A_26] : memref<212992x32xf32, #tpu.memory_space<hbm>> -> memref<832x32xf32, #tpu.memory_space<hbm>>
        tpu.wait_dma2 semaphore(%run_scoped3A : memref<!tpu.dma_semaphore, #tpu.memory_space<semaphore_mem>>) src(%arg8 : memref<832x32xf32, #tpu.memory_space<vmem>>) dst(%dma_wait3A_27 : memref<832x32xf32, #tpu.memory_space<hbm>>)
        tpu.yield
      }) : () -> ()
      "tpu.region"() ({
        %run_scoped3A = tpu.sem_alloc : memref<!tpu.dma_semaphore, #tpu.memory_space<semaphore_mem>>
        %dma_start3A_20 = tpu.memref_slice %arg6[%add3A_11] : memref<212992xf32, #tpu.memory_space<hbm>> -> memref<832xf32, #tpu.memory_space<hbm>>
        %dma_start3A_21 = tpu.memref_slice %arg6[%add3A_11] : memref<212992xf32, #tpu.memory_space<hbm>> -> memref<832xf32, #tpu.memory_space<hbm>>
        tpu.enqueue_dma source(%arg9 : memref<832xf32, #tpu.memory_space<vmem>>) target(%dma_start3A_21 : memref<832xf32, #tpu.memory_space<hbm>>) target_semaphore(%run_scoped3A : memref<!tpu.dma_semaphore, #tpu.memory_space<semaphore_mem>>)
        %dma_wait3A_22 = tpu.memref_slice %arg6[%add3A_11] : memref<212992xf32, #tpu.memory_space<hbm>> -> memref<832xf32, #tpu.memory_space<hbm>>
        %dma_wait3A_23 = tpu.memref_slice %arg6[%add3A_11] : memref<212992xf32, #tpu.memory_space<hbm>> -> memref<832xf32, #tpu.memory_space<hbm>>
        tpu.wait_dma2 semaphore(%run_scoped3A : memref<!tpu.dma_semaphore, #tpu.memory_space<semaphore_mem>>) src(%arg9 : memref<832xf32, #tpu.memory_space<vmem>>) dst(%dma_wait3A_23 : memref<832xf32, #tpu.memory_space<hbm>>)
        tpu.yield
      }) : () -> ()
    }
    %scan3A_5 = arith.constant 8 : i32
    return
  }
}

module attributes {stable_mosaic.version = 14 : i64} {
  func.func @_mlp_body(%arg0: i32, %arg1: memref<256x832xf32, #tpu.memory_space<vmem>>, %arg2: memref<256x26xf32, #tpu.memory_space<vmem>>, %arg3: memref<256x26xf32, #tpu.memory_space<vmem>>, %arg4: memref<26x832xf32, #tpu.memory_space<vmem>>, %arg5: memref<832x32xf32, #tpu.memory_space<vmem>>, %arg6: memref<832x128xf32, #tpu.memory_space<vmem>>, %arg7: memref<1x128xf32, #tpu.memory_space<vmem>>, %arg8: memref<128x64xf32, #tpu.memory_space<vmem>>, %arg9: memref<1x64xf32, #tpu.memory_space<vmem>>, %arg10: memref<64x32xf32, #tpu.memory_space<vmem>>, %arg11: memref<1x32xf32, #tpu.memory_space<vmem>>, %arg12: memref<1x26xf32, #tpu.memory_space<vmem>>, %arg13: memref<1x32xf32, #tpu.memory_space<vmem>>, %arg14: memref<1x32xf32, #tpu.memory_space<vmem>>, %arg15: memref<1x1xf32, #tpu.memory_space<vmem>>, %arg16: memref<256x1xf32, #tpu.memory_space<vmem>>) attributes {dimension_semantics = [#tpu.dimension_semantics<arbitrary>], iteration_bounds = array<i64: 32>, scalar_prefetch = 0 : i64, scratch_operands = 0 : i64, tpu.core_type = #tpu.core_type<tc>, window_params = [{transform_indices = @transform_0, window_bounds = array<i64: 256, 832>}, {transform_indices = @transform_1, window_bounds = array<i64: 256, 26>}, {transform_indices = @transform_2, window_bounds = array<i64: 256, 26>}, {pipeline_mode = #tpu.pipeline_mode<synchronous>, transform_indices = @transform_3, window_bounds = array<i64: 26, 832>}, {pipeline_mode = #tpu.pipeline_mode<synchronous>, transform_indices = @transform_4, window_bounds = array<i64: 832, 32>}, {pipeline_mode = #tpu.pipeline_mode<synchronous>, transform_indices = @transform_5, window_bounds = array<i64: 832, 128>}, {pipeline_mode = #tpu.pipeline_mode<synchronous>, transform_indices = @transform_6, window_bounds = array<i64: 1, 128>}, {pipeline_mode = #tpu.pipeline_mode<synchronous>, transform_indices = @transform_7, window_bounds = array<i64: 128, 64>}, {pipeline_mode = #tpu.pipeline_mode<synchronous>, transform_indices = @transform_8, window_bounds = array<i64: 1, 64>}, {pipeline_mode = #tpu.pipeline_mode<synchronous>, transform_indices = @transform_9, window_bounds = array<i64: 64, 32>}, {pipeline_mode = #tpu.pipeline_mode<synchronous>, transform_indices = @transform_10, window_bounds = array<i64: 1, 32>}, {pipeline_mode = #tpu.pipeline_mode<synchronous>, transform_indices = @transform_11, window_bounds = array<i64: 1, 26>}, {pipeline_mode = #tpu.pipeline_mode<synchronous>, transform_indices = @transform_12, window_bounds = array<i64: 1, 32>}, {pipeline_mode = #tpu.pipeline_mode<synchronous>, transform_indices = @transform_13, window_bounds = array<i64: 1, 32>}, {pipeline_mode = #tpu.pipeline_mode<synchronous>, transform_indices = @transform_14, window_bounds = array<i64: 1, 1>}, {transform_indices = @transform_15, window_bounds = array<i64: 256, 1>}]} {
    %get3A = arith.constant 0 : index
    %get3A_0 = arith.constant 0 : index
    %get3A_1 = vector.load %arg2[%get3A, %get3A_0] : memref<256x26xf32, #tpu.memory_space<vmem>>, vector<256x26xf32>
    %get3A_2 = arith.constant 0 : index
    %get3A_3 = arith.constant 0 : index
    %get3A_4 = vector.load %arg4[%get3A_2, %get3A_3] : memref<26x832xf32, #tpu.memory_space<vmem>>, vector<26x832xf32>
    %dot_general3A = arith.constant dense<0.000000e+00> : vector<256x832xf32>
    %dot_general3A_5 = tpu.matmul %get3A_1, %get3A_4, %dot_general3A {dimension_numbers = #tpu.dot_dimension_numbers<[1], [0], [0], [1], [0, 0, 1, 1], [], []>, transpose_lhs_hint = false} : vector<256x26xf32>, vector<26x832xf32>, vector<256x832xf32> -> vector<256x832xf32>
    %get3A_6 = arith.constant 0 : index
    %get3A_7 = arith.constant 0 : index
    %get3A_8 = vector.load %arg1[%get3A_6, %get3A_7] : memref<256x832xf32, #tpu.memory_space<vmem>>, vector<256x832xf32>
    %mul3A = arith.mulf %get3A_8, %dot_general3A_5 : vector<256x832xf32>
    %get3A_9 = arith.constant 0 : index
    %get3A_10 = arith.constant 0 : index
    %get3A_11 = vector.load %arg5[%get3A_9, %get3A_10] : memref<832x32xf32, #tpu.memory_space<vmem>>, vector<832x32xf32>
    %dot_general3A_12 = arith.constant dense<0.000000e+00> : vector<256x32xf32>
    %dot_general3A_13 = tpu.matmul %mul3A, %get3A_11, %dot_general3A_12 {dimension_numbers = #tpu.dot_dimension_numbers<[1], [0], [0], [1], [0, 0, 1, 1], [], []>, transpose_lhs_hint = false} : vector<256x832xf32>, vector<832x32xf32>, vector<256x32xf32> -> vector<256x32xf32>
    %mul3A_14 = arith.mulf %mul3A, %mul3A : vector<256x832xf32>
    %get3A_15 = arith.constant 0 : index
    %get3A_16 = arith.constant 0 : index
    %get3A_17 = vector.load %arg5[%get3A_15, %get3A_16] : memref<832x32xf32, #tpu.memory_space<vmem>>, vector<832x32xf32>
    %dot_general3A_18 = arith.constant dense<0.000000e+00> : vector<256x32xf32>
    %dot_general3A_19 = tpu.matmul %mul3A_14, %get3A_17, %dot_general3A_18 {dimension_numbers = #tpu.dot_dimension_numbers<[1], [0], [0], [1], [0, 0, 1, 1], [], []>, transpose_lhs_hint = false} : vector<256x832xf32>, vector<832x32xf32>, vector<256x32xf32> -> vector<256x32xf32>
    %mul3A_20 = arith.mulf %dot_general3A_13, %dot_general3A_13 : vector<256x32xf32>
    %sub3A = arith.subf %mul3A_20, %dot_general3A_19 : vector<256x32xf32>
    %mul3A_21 = arith.constant 5.000000e-01 : f32
    %mul3A_22 = vector.broadcast %mul3A_21 : f32 to vector<256x32xf32>
    %mul3A_23 = arith.mulf %mul3A_22, %sub3A : vector<256x32xf32>
    %get3A_24 = arith.constant 0 : index
    %get3A_25 = arith.constant 0 : index
    %get3A_26 = vector.load %arg6[%get3A_24, %get3A_25] : memref<832x128xf32, #tpu.memory_space<vmem>>, vector<832x128xf32>
    %dot_general3A_27 = arith.constant dense<0.000000e+00> : vector<256x128xf32>
    %dot_general3A_28 = tpu.matmul %mul3A, %get3A_26, %dot_general3A_27 {dimension_numbers = #tpu.dot_dimension_numbers<[1], [0], [0], [1], [0, 0, 1, 1], [], []>, transpose_lhs_hint = false} : vector<256x832xf32>, vector<832x128xf32>, vector<256x128xf32> -> vector<256x128xf32>
    %get3A_29 = arith.constant 0 : index
    %get3A_30 = arith.constant 0 : index
    %get3A_31 = vector.load %arg7[%get3A_29, %get3A_30] : memref<1x128xf32, #tpu.memory_space<vmem>>, vector<1x128xf32>
    %add3A = vector.broadcast %get3A_31 : vector<1x128xf32> to vector<256x128xf32>
    %add3A_32 = arith.addf %dot_general3A_28, %add3A : vector<256x128xf32>
    %max3A = arith.constant 0.000000e+00 : f32
    %max3A_33 = vector.broadcast %max3A : f32 to vector<256x128xf32>
    %max3A_34 = arith.maximumf %add3A_32, %max3A_33 : vector<256x128xf32>
    %get3A_35 = arith.constant 0 : index
    %get3A_36 = arith.constant 0 : index
    %get3A_37 = vector.load %arg8[%get3A_35, %get3A_36] : memref<128x64xf32, #tpu.memory_space<vmem>>, vector<128x64xf32>
    %dot_general3A_38 = arith.constant dense<0.000000e+00> : vector<256x64xf32>
    %dot_general3A_39 = tpu.matmul %max3A_34, %get3A_37, %dot_general3A_38 {dimension_numbers = #tpu.dot_dimension_numbers<[1], [0], [0], [1], [0, 0, 1, 1], [], []>, transpose_lhs_hint = false} : vector<256x128xf32>, vector<128x64xf32>, vector<256x64xf32> -> vector<256x64xf32>
    %get3A_40 = arith.constant 0 : index
    %get3A_41 = arith.constant 0 : index
    %get3A_42 = vector.load %arg9[%get3A_40, %get3A_41] : memref<1x64xf32, #tpu.memory_space<vmem>>, vector<1x64xf32>
    %add3A_43 = vector.broadcast %get3A_42 : vector<1x64xf32> to vector<256x64xf32>
    %add3A_44 = arith.addf %dot_general3A_39, %add3A_43 : vector<256x64xf32>
    %max3A_45 = arith.constant 0.000000e+00 : f32
    %max3A_46 = vector.broadcast %max3A_45 : f32 to vector<256x64xf32>
    %max3A_47 = arith.maximumf %add3A_44, %max3A_46 : vector<256x64xf32>
    %get3A_48 = arith.constant 0 : index
    %get3A_49 = arith.constant 0 : index
    %get3A_50 = vector.load %arg10[%get3A_48, %get3A_49] : memref<64x32xf32, #tpu.memory_space<vmem>>, vector<64x32xf32>
    %dot_general3A_51 = arith.constant dense<0.000000e+00> : vector<256x32xf32>
    %dot_general3A_52 = tpu.matmul %max3A_47, %get3A_50, %dot_general3A_51 {dimension_numbers = #tpu.dot_dimension_numbers<[1], [0], [0], [1], [0, 0, 1, 1], [], []>, transpose_lhs_hint = false} : vector<256x64xf32>, vector<64x32xf32>, vector<256x32xf32> -> vector<256x32xf32>
    %get3A_53 = arith.constant 0 : index
    %get3A_54 = arith.constant 0 : index
    %get3A_55 = vector.load %arg11[%get3A_53, %get3A_54] : memref<1x32xf32, #tpu.memory_space<vmem>>, vector<1x32xf32>
    %add3A_56 = vector.broadcast %get3A_55 : vector<1x32xf32> to vector<256x32xf32>
    %add3A_57 = arith.addf %dot_general3A_52, %add3A_56 : vector<256x32xf32>
    %max3A_58 = arith.constant 0.000000e+00 : f32
    %max3A_59 = vector.broadcast %max3A_58 : f32 to vector<256x32xf32>
    %max3A_60 = arith.maximumf %add3A_57, %max3A_59 : vector<256x32xf32>
    %get3A_61 = arith.constant 0 : index
    %get3A_62 = arith.constant 0 : index
    %get3A_63 = vector.load %arg3[%get3A_61, %get3A_62] : memref<256x26xf32, #tpu.memory_space<vmem>>, vector<256x26xf32>
    %mul3A_64 = arith.mulf %get3A_1, %get3A_63 : vector<256x26xf32>
    %get3A_65 = arith.constant 0 : index
    %get3A_66 = arith.constant 0 : index
    %get3A_67 = vector.load %arg12[%get3A_65, %get3A_66] : memref<1x26xf32, #tpu.memory_space<vmem>>, vector<1x26xf32>
    %mul3A_68 = vector.broadcast %get3A_67 : vector<1x26xf32> to vector<256x26xf32>
    %mul3A_69 = arith.mulf %mul3A_64, %mul3A_68 : vector<256x26xf32>
    %reduce_sum3A = arith.constant dense<0.000000e+00> : vector<256xf32>
    %reduce_sum3A_70 = vector.multi_reduction <add>, %mul3A_69, %reduce_sum3A [1] : vector<256x26xf32> to vector<256xf32>
    %broadcast_in_dim3A = vector.shape_cast %reduce_sum3A_70 : vector<256xf32> to vector<256x1xf32>
    %get3A_71 = arith.constant 0 : index
    %get3A_72 = arith.constant 0 : index
    %get3A_73 = vector.load %arg13[%get3A_71, %get3A_72] : memref<1x32xf32, #tpu.memory_space<vmem>>, vector<1x32xf32>
    %mul3A_74 = vector.broadcast %get3A_73 : vector<1x32xf32> to vector<256x32xf32>
    %mul3A_75 = arith.mulf %mul3A_23, %mul3A_74 : vector<256x32xf32>
    %reduce_sum3A_76 = arith.constant dense<0.000000e+00> : vector<256xf32>
    %reduce_sum3A_77 = vector.multi_reduction <add>, %mul3A_75, %reduce_sum3A_76 [1] : vector<256x32xf32> to vector<256xf32>
    %broadcast_in_dim3A_78 = vector.shape_cast %reduce_sum3A_77 : vector<256xf32> to vector<256x1xf32>
    %add3A_79 = arith.addf %broadcast_in_dim3A, %broadcast_in_dim3A_78 : vector<256x1xf32>
    %get3A_80 = arith.constant 0 : index
    %get3A_81 = arith.constant 0 : index
    %get3A_82 = vector.load %arg14[%get3A_80, %get3A_81] : memref<1x32xf32, #tpu.memory_space<vmem>>, vector<1x32xf32>
    %mul3A_83 = vector.broadcast %get3A_82 : vector<1x32xf32> to vector<256x32xf32>
    %mul3A_84 = arith.mulf %max3A_60, %mul3A_83 : vector<256x32xf32>
    %reduce_sum3A_85 = arith.constant dense<0.000000e+00> : vector<256xf32>
    %reduce_sum3A_86 = vector.multi_reduction <add>, %mul3A_84, %reduce_sum3A_85 [1] : vector<256x32xf32> to vector<256xf32>
    %broadcast_in_dim3A_87 = vector.shape_cast %reduce_sum3A_86 : vector<256xf32> to vector<256x1xf32>
    %add3A_88 = arith.addf %add3A_79, %broadcast_in_dim3A_87 : vector<256x1xf32>
    %get3A_89 = arith.constant 0 : index
    %get3A_90 = arith.constant 0 : index
    %get3A_91 = vector.load %arg15[%get3A_89, %get3A_90] : memref<1x1xf32, #tpu.memory_space<vmem>>, vector<1x1xf32>
    %add3A_92 = vector.broadcast %get3A_91 : vector<1x1xf32> to vector<256x1xf32>
    %add3A_93 = arith.addf %add3A_88, %add3A_92 : vector<256x1xf32>
    %neg3A = arith.constant 0.000000e+00 : f32
    %neg3A_94 = vector.broadcast %neg3A : f32 to vector<256x1xf32>
    %neg3A_95 = arith.subf %neg3A_94, %add3A_93 : vector<256x1xf32>
    %exp3A = math.exp %neg3A_95 : vector<256x1xf32>
    %add3A_96 = arith.constant 1.000000e+00 : f32
    %add3A_97 = vector.broadcast %add3A_96 : f32 to vector<256x1xf32>
    %add3A_98 = arith.addf %add3A_97, %exp3A : vector<256x1xf32>
    %div3A = arith.constant 1.000000e+00 : f32
    %div3A_99 = vector.broadcast %div3A : f32 to vector<256x1xf32>
    %div3A_100 = arith.divf %div3A_99, %add3A_98 : vector<256x1xf32>
    %swap3A = arith.constant 0 : index
    %swap3A_101 = arith.constant 0 : index
    %swap3A_102 = vector.load %arg16[%swap3A, %swap3A_101] : memref<256x1xf32, #tpu.memory_space<vmem>>, vector<256x1xf32>
    tpu.vector_store %arg16[%swap3A, %swap3A_101], %div3A_100 {strides = array<i32>} : memref<256x1xf32, #tpu.memory_space<vmem>>, vector<256x1xf32>,
    return
  }
  func.func @transform_0(%arg0: i32) -> (i32, i32) {
    %c0_i32 = arith.constant 0 : i32
    %c0_i32_0 = arith.constant 0 : i32
    return %arg0, %c0_i32 : i32, i32
  }
  func.func @transform_1(%arg0: i32) -> (i32, i32) {
    %c0_i32 = arith.constant 0 : i32
    %c0_i32_0 = arith.constant 0 : i32
    return %arg0, %c0_i32 : i32, i32
  }
  func.func @transform_2(%arg0: i32) -> (i32, i32) {
    %c0_i32 = arith.constant 0 : i32
    %c0_i32_0 = arith.constant 0 : i32
    return %arg0, %c0_i32 : i32, i32
  }
  func.func @transform_3(%arg0: i32) -> (i32, i32) {
    %c0_i32 = arith.constant 0 : i32
    %c0_i32_0 = arith.constant 0 : i32
    %c0_i32_1 = arith.constant 0 : i32
    return %c0_i32, %c0_i32_0 : i32, i32
  }
  func.func @transform_4(%arg0: i32) -> (i32, i32) {
    %c0_i32 = arith.constant 0 : i32
    %c0_i32_0 = arith.constant 0 : i32
    %c0_i32_1 = arith.constant 0 : i32
    return %c0_i32, %c0_i32_0 : i32, i32
  }
  func.func @transform_5(%arg0: i32) -> (i32, i32) {
    %c0_i32 = arith.constant 0 : i32
    %c0_i32_0 = arith.constant 0 : i32
    %c0_i32_1 = arith.constant 0 : i32
    return %c0_i32, %c0_i32_0 : i32, i32
  }
  func.func @transform_6(%arg0: i32) -> (i32, i32) {
    %c0_i32 = arith.constant 0 : i32
    %c0_i32_0 = arith.constant 0 : i32
    %c0_i32_1 = arith.constant 0 : i32
    return %c0_i32, %c0_i32_0 : i32, i32
  }
  func.func @transform_7(%arg0: i32) -> (i32, i32) {
    %c0_i32 = arith.constant 0 : i32
    %c0_i32_0 = arith.constant 0 : i32
    %c0_i32_1 = arith.constant 0 : i32
    return %c0_i32, %c0_i32_0 : i32, i32
  }
  func.func @transform_8(%arg0: i32) -> (i32, i32) {
    %c0_i32 = arith.constant 0 : i32
    %c0_i32_0 = arith.constant 0 : i32
    %c0_i32_1 = arith.constant 0 : i32
    return %c0_i32, %c0_i32_0 : i32, i32
  }
  func.func @transform_9(%arg0: i32) -> (i32, i32) {
    %c0_i32 = arith.constant 0 : i32
    %c0_i32_0 = arith.constant 0 : i32
    %c0_i32_1 = arith.constant 0 : i32
    return %c0_i32, %c0_i32_0 : i32, i32
  }
  func.func @transform_10(%arg0: i32) -> (i32, i32) {
    %c0_i32 = arith.constant 0 : i32
    %c0_i32_0 = arith.constant 0 : i32
    %c0_i32_1 = arith.constant 0 : i32
    return %c0_i32, %c0_i32_0 : i32, i32
  }
  func.func @transform_11(%arg0: i32) -> (i32, i32) {
    %c0_i32 = arith.constant 0 : i32
    %c0_i32_0 = arith.constant 0 : i32
    %c0_i32_1 = arith.constant 0 : i32
    return %c0_i32, %c0_i32_0 : i32, i32
  }
  func.func @transform_12(%arg0: i32) -> (i32, i32) {
    %c0_i32 = arith.constant 0 : i32
    %c0_i32_0 = arith.constant 0 : i32
    %c0_i32_1 = arith.constant 0 : i32
    return %c0_i32, %c0_i32_0 : i32, i32
  }
  func.func @transform_13(%arg0: i32) -> (i32, i32) {
    %c0_i32 = arith.constant 0 : i32
    %c0_i32_0 = arith.constant 0 : i32
    %c0_i32_1 = arith.constant 0 : i32
    return %c0_i32, %c0_i32_0 : i32, i32
  }
  func.func @transform_14(%arg0: i32) -> (i32, i32) {
    %c0_i32 = arith.constant 0 : i32
    %c0_i32_0 = arith.constant 0 : i32
    %c0_i32_1 = arith.constant 0 : i32
    return %c0_i32, %c0_i32_0 : i32, i32
  }
  func.func @transform_15(%arg0: i32) -> (i32, i32) {
    %c0_i32 = arith.constant 0 : i32
    %c0_i32_0 = arith.constant 0 : i32
    return %arg0, %c0_i32 : i32, i32
  }
}

</mosaic_0001>

<sc_bundles>
// kernel: kernel.6.cloned.1.call-start
scs
__scs_entry_jumppad:
0x0: {  	(pc) =	sbr.rel $0x88, $3  }
0x1: {  	(tag) =	ssettag $0x0;
	lr =	simm.s32 $0x1  }
0x2: {  	[smem:$0x3F8F] =	sst lr;
	_ =	strace $0xD0000000  }
0x3: {  	_ = 	snop  }
0x4: {  	_ = 	snop  }
0x5: {  	_ = 	snop  }
0x6: {  	_ = 	snop  }
0x7: {  	_ = 	snop  }
__scs_overlays_trampoline_lowered:
0x8: {  	[smem:$0x3F9E] =	sst s0  }
0x9: {  	[smem:$0x3F9F] =	sst s1  }
0xa: {  	[smem:$0x3FA0] =	sst s2  }
0xb: {  	[smem:$0x3FA1] =	sst s3  }
0xc: {  	[smem:$0x3FA2] =	sst s4  }
0xd: {  	[smem:$0x3FA3] =	sst s5  }
0xe: {  	[smem:$0x3FA4] =	sst s6  }
0xf: {  	[smem:$0x3FA5] =	sst s7  }
0x10: {  	[smem:$0x3FA6] =	sst s8  }
0x11: {  	[smem:$0x3FA7] =	sst s9;
	s0 =	simm.s32 @!p0 $0x0  }
0x12: {  	s1 =	sld [smem:$0x3F8D];
	s0 =	simm.s32 @p0 $0x1  }
0x13: {  	[smem:$0x3FA8] =	sst s0;
	s0 =	simm.s32 @!p1 $0x0  }
0x14: {  	s2 =	sld [smem:$0x3F8C];
	s0 =	simm.s32 @p1 $0x1  }
0x15: {  	[smem:$0x3FA9] =	sst s0;
	s0 =	simm.s32 @!p2 $0x0  }
0x16: {  	s3 =	sld [smem:$0x3FDB];
	s0 =	simm.s32 @p2 $0x1  }
0x17: {  	s4 =	simm.s32 $0x1BF5;
	[smem:$0x3FAB] =	sst s0  }
0x18: {  	s0 =	sld [smem:$0x3F8E];
	_ =	swait.ge [sflag:s4], $0x0  }
0x19: {  	s7 =	sld [smem:$0x3F8F]  }
0x1a: {  	s8 =	sadd.s32 $0xFFFFE003, lr  }
0x1b: {  	s9 =	sadd.s32 $0xFFFFFEF7, lr;
	s5 =	simm.s32 $0xFFFFFFFF;
	p2 =	slt.u32 s8, $0xFFFFF086  }
0x1c: {  	p1 =	slt.u32 s9, $0xF7A;
	s5 =	simm.s32 @!p2 $0x0  }
0x1d: {  	s5 =	simm.s32 @p1 $0x1;
	p0 =	seq.s32 s7, s2  }
0x1e: {  	s7 =	smul.u32 @!p0 $0xF7A, s2;
	p2 =	seq.s32 @!p0 s5, $0x0  }
0x1f: {  	s9 =	smul.u32 $0xF7A, s1;
	s8 =	simm.s32 @!p0 $0x1BF5;
	p2 =	por !p2, p0  }
0x20: {  	[sflag:s8] =	ssyncset.s32 @!p0 $0xFFFFF086;
	s6 =	sadd.s32 @!p0 s3, s7;
	s7 =	simm.s32 @!p0 $0x108  }
0x21: {  	s3 =	sadd.s32 s3, s9;
	s6 =	sadd.s32 @!p0 $0x88, s6;
	s7 =	simm.s32 @p2 $0x1082  }
0x22: {  	[simem:s7], [sflag:s8] =	dma.local @!p0 [hbm:s6], $0xF7A  }
0x23: {  	s9 =	sor.u32 $0xD0000000, s2;
	s6 =	simm.s32 $0x108;
	_ =	swait.ge @!p0 [sflag:s8], $0x0  }
0x24: {  	s3 =	sadd.s32 $0x88, s3;
	s6 =	simm.s32 @!p1 $0x1082;
	[sflag:s4] =	ssyncset.s32 $0xFFFFF086  }
0x25: {  	[simem:s6], [sflag:s4] =	dma.local [hbm:s3], $0xF7A  }
0x26: {  	[smem:$0x3F8F] =	sst s1;
	(tag) =	ssettag s2;
	_ =	strace s9  }
0x27: {  	s1 =	sld [smem:$0x3F9F]  }
0x28: {  	s2 =	sld [smem:$0x3FA0]  }
0x29: {  	s4 =	sld [smem:$0x3FA2]  }
0x2a: {  	p0 =	seq.s32 s5, $0x0;
	s5 =	sld [smem:$0x3FA3]  }
0x2b: {  	s6 =	sld [smem:$0x3FA4]  }
0x2c: {  	s7 =	sld [smem:$0x3FA5]  }
0x2d: {  	s3 =	simm.s32 $0x108;
	s8 =	sld [smem:$0x3FA6]  }
0x2e: {  	s3 =	simm.s32 @!p0 $0x1082;
	s9 =	sld [smem:$0x3FA7]  }
0x2f: {  	lr =	sadd.s32 s0, s3;
	s0 =	sld [smem:$0x3F9E]  }
0x30: {  	s3 =	sld [smem:$0x3FA1]  }
0x31: {  	[smem:$0x3FAA] =	sst s10  }
0x32: {  	s10 =	sld [smem:$0x3FA8];
	_ =	sdelay $0x3  }
0x33: {  	p0 =	seq.s32 s10, $0x1;
	s10 =	sld [smem:$0x3FAA];
	_ =	sdelay $0x3  }
0x34: {  	[smem:$0x3FAA] =	sst s10  }
0x35: {  	s10 =	sld [smem:$0x3FA9];
	_ =	sdelay $0x3  }
0x36: {  	p1 =	seq.s32 s10, $0x1;
	s10 =	sld [smem:$0x3FAA];
	_ =	sdelay $0x3  }
0x37: {  	[smem:$0x3FAA] =	sst s10  }
0x38: {  	s10 =	sld [smem:$0x3FAB]  }
0x39: {  	_ = 	snop;
	(pc) =	sbr.ind lr, $3  }
0x3a: {  	_ = 	snop  }
0x3b: {  	_ = 	snop  }
0x3c: {  	p2 =	seq.s32 s10, $0x1;
	s10 =	sld [smem:$0x3FAA]  }
0x3d: {  	_ =	shalt  }
0x3e: {  	_ =	shalt  }
0x3f: {  	_ =	shalt  }
0x40: {  	_ =	shalt  }
0x41: {  	_ =	shalt  }
0x42: {  	_ =	shalt  }
0x43: {  	_ =	shalt  }
0x44: {  	_ =	shalt  }
0x45: {  	_ =	shalt  }
0x46: {  	_ =	shalt  }
0x47: {  	_ =	shalt  }
0x48: {  	_ =	shalt  }
0x49: {  	_ =	shalt  }
0x4a: {  	_ =	shalt  }
0x4b: {  	_ =	shalt  }
0x4c: {  	_ =	shalt  }
0x4d: {  	_ =	shalt  }
0x4e: {  	_ =	shalt  }
0x4f: {  	_ =	shalt  }
0x50: {  	_ =	shalt  }
0x51: {  	_ =	shalt  }
0x52: {  	_ =	shalt  }
0x53: {  	_ =	shalt  }
0x54: {  	_ =	shalt  }
0x55: {  	_ =	shalt  }
0x56: {  	_ =	shalt  }
0x57: {  	_ =	shalt  }
0x58: {  	_ =	shalt  }
0x59: {  	_ =	shalt  }
0x5a: {  	_ =	shalt  }
0x5b: {  	_ =	shalt  }
0x5c: {  	_ =	shalt  }
0x5d: {  	_ =	shalt  }
0x5e: {  	_ =	shalt  }
0x5f: {  	_ =	shalt  }
0x60: {  	_ =	shalt  }
0x61: {  	_ =	shalt  }
0x62: {  	_ =	shalt  }
0x63: {  	_ =	shalt  }
0x64: {  	_ =	shalt  }
0x65: {  	_ =	shalt  }
0x66: {  	_ =	shalt  }
0x67: {  	_ =	shalt  }
0x68: {  	_ =	shalt  }
0x69: {  	_ =	shalt  }
0x6a: {  	_ =	shalt  }
0x6b: {  	_ =	shalt  }
0x6c: {  	_ =	shalt  }
0x6d: {  	_ =	shalt  }
0x6e: {  	_ =	shalt  }
0x6f: {  	_ =	shalt  }
0x70: {  	_ =	shalt  }
0x71: {  	_ =	shalt  }
0x72: {  	_ =	shalt  }
0x73: {  	_ =	shalt  }
0x74: {  	_ =	shalt  }
0x75: {  	_ =	shalt  }
0x76: {  	_ =	shalt  }
0x77: {  	_ =	shalt  }
0x78: {  	_ =	shalt  }
0x79: {  	_ =	shalt  }
0x7a: {  	_ =	shalt  }
0x7b: {  	_ =	shalt  }
0x7c: {  	_ =	shalt  }
0x7d: {  	_ =	shalt  }
0x7e: {  	_ =	shalt  }
0x7f: {  	_ =	shalt  }
0x80: {  	_ =	shalt  }
0x81: {  	_ =	shalt  }
0x82: {  	_ =	shalt  }
0x83: {  	_ =	shalt  }
0x84: {  	_ =	shalt  }
0x85: {  	_ =	shalt  }
0x86: {  	_ =	shalt  }
0x87: {  	_ =	shalt  }
.Lfunc_end0:
.L_simem_size_0:
called_computation_lowered:
.L_overlay_start_0:
0x88: {  	s2 =	sld [smem:$0x3FD9]  }
0x89: {  	s3 =	sld [smem:$0x3FFE];
	_ =	sdelay $0x1  }
0x8a: {  	s1 =	srdreg.scid  }
0x8b: {  	s0 =	sand.u32 $0x1, s1  }
0x8c: {  	s16 =	sshll.u32 s0, $0xA;
	s2 =	sadd.s32 s3, s2  }
0x8d: {  	s2 =	sadd.s32 s2, s16  }
0x8e: {  	[smem:$0x3FB6] =	sst s2  }
0x8f: {  	_ = 	snop  }
0x90: {  	(tm) =	ssettm $0x1  }
0x91: {  	s17 =	sld [smem:$0x3FFB];
	_ =	sdelay $0x3  }
0x92: {  	_ =	strace s17  }
0x93: {  	s2 =	sld [smem:$0x3FFC];
	_ =	sdelay $0x3  }
0x94: {  	_ =	strace s2  }
0x95: {  	s2 =	sld [smem:$0x3FFD];
	_ =	sdelay $0x3  }
0x96: {  	_ =	strace s2  }
0x97: {  	_ =	strace $0x8FFFFFFF  }
0x98: {  	s18 =	sld [smem:$0x3FDB];
	_ =	sdelay $0x1  }
0x99: {  	s19 =	simm.s32 $_scs_section_size  }
0x9a: {  	s4 =	simm.s32 $_size__tile_overlayer_lowered;
	s5 =	simm.s32 $_tile_overlayer_lowered  }
0x9b: {  	s22 =	simm.s32 $0x1BFF;
	s21 =	sshll.u32 s5, $0x1;
	s2 =	sadd.s32 s19, s18  }
0x9c: {  	s6 =	simm.s32 $0x0;
	s20 =	sshll.u32 s4, $0x1;
	s4 =	sadd.s32 s21, s2  }
0x9d: {  	[timem:s6], [sflag:s22] =	dma.local [hbm:s4], s20  }
0x9e: {  	_ =	swait.ge [sflag:s22], s20  }
0x9f: {  	s3 =	ssub.s32 $0x0, s20;
	[sflag:s22] =	ssyncset.done $0x0  }
0xa0: {  	[sflag:s22] =	ssyncadd.s32 s3;
	_ =	sdelay $0x1  }
0xa1: {  	s23 =	simm.s32 $0x1B8B  }
0xa2: {  	_ =	swait.ge [sflag:s23], $0x1  }
0xa3: {  	[sflag:s23] =	ssyncset.done $0x0  }
0xa4: {  	s25 =	simm.s32 $0x1B8E;
	s24 =	sld [smem:$0x3FFE];
	[sflag:s23] =	ssyncadd.s32 $0xFFFFFFFF  }
0xa5: {  	s26 =	simm.s32 $execute0_lowered;
	[smem:$0x3FD2] =	sst s25  }
0xa6: {  	s4 =	sshll.u32 s26, $0x1;
	_ =	strace $0x80000046;
	[dreg:$0x1] =	wrdreg $0xFFFFFFFF  }
0xa7: {  	s28 =	simm.s32 $_size_execute0_lowered;
	s2 =	sadd.s32 s2, s4;
	[dreg:$0x0] =	wrdreg $0x0  }
0xa8: {  	s4 =	sshll.u32 s28, $0x1;
	[dreg:$0x2] =	wrdreg s2  }
0xa9: {  	[dreg:$0x3] =	wrdreg s4  }
0xaa: {  	[dreg:$0x4] =	wrdreg $0xC0  }
0xab: {  	_ =	task [dreg:s6], $0x5FFFF  }
0xac: {  	[dreg:$0x1] =	wrdreg $0xFFFFFFFF  }
0xad: {  	[dreg:$0x0] =	wrdreg $0x60  }
0xae: {  	[dreg:$0x2] =	wrdreg s24  }
0xaf: {  	[dreg:$0x3] =	wrdreg $0x9  }
0xb0: {  	_ =	task.clear_ibuf [dreg:s6], $0x4FFFF;
	_ =	strace $0x90000046  }
0xb1: {  	s29 =	simm.s32 $0x9;
	_ =	strace $0x80000048  }
0xb2: {  	_ =	swait.ge [sflag:s29], $0x1  }
0xb3: {  	[sflag:s29] =	ssyncadd.s32 $0xFFFFFFFF  }
0xb4: {  	_ =	strace $0x90000048  }
0xb5: {  	_ =	sfence  }
0xb6: {  	s30 =	sld [smem:$0x0];
	_ =	sdelay $0x2  }
0xb7: {  	s31 =	sshll.u32 s1, $0xD;
	s1 =	sshrl.u32 s1, $0x2  }
0xb8: {  	s3 =	sand.u32 $0x4000, s31;
	s1 =	sadd.s32 s1, s30  }
0xb9: {  	s0 =	sor.u32 s3, s0;
	s1 =	sshll.u32 s1, $0x11  }
0xba: {  	s0 =	sor.u32 s1, s0  }
0xbb: {  	s0 =	sadd.s32 $0x8F2B, s0  }
0xbc: {  	[sflag:s0] =	ssyncadd.remote.s32 $0x1  }
0xbd: {  	_ =	sfence.sel $0xFFFF  }
0xbe: {  	[dreg:$0x0] =	wrdreg $0xFFFFFFFF;
	(pc) =	sbr.abs _section_cstart, $3  }
0xbf: {  	[dreg:$0x1] =	wrdreg $0xFFFFFFFF  }
0xc0: {  	_ =	task.clear_ibuf [dreg:s6], $0x2FFFF;
	_ =	strace $0x9FFFFFFF  }
0xc1: {  	(tm) =	ssettm $0x7FFFFFFF  }
tec
execute0_lowered:
.L_overlay_start_1:
0x0: {  	(tag) =	ssettag $0x1  }
0x1: {  	s5 =	rddreg [dreg:$0x0]  }
0x2: {  	s0 =	rddreg [dreg:$0x1]  }
0x3: {  	s2 =	simm.s32 $0x0;
	s3 =	srdreg.scid;
	s1 =	stileid.u32  }
0x4: {  	s11 =	simm.s32 $0x6B40;
	s12 =	simm.s32 $0x1;
	s13 =	simm.s32 $0x2  }
0x5: {  	s14 =	simm.s32 $0x0;
	[smem:$0x7FF] =	sst s2;
	s7 =	smul.u32 $0x3400, s1  }
0x6: {  	s6 =	sand.u32 $0x1, s3;
	s3 =	sadd.s32 $0xF46000, s5;
	s9 =	smul.u32 $0xD000, s1  }
0x7: {  	s4 =	sadd.s32 $0xA400, s5;
	s8 =	smul.u32 $0x1A00, s6;
	s10 =	ssub.s32 $0x2, s6  }
0x8: {  	_ =	strace $0x80000047;
	s6 =	smul.u32 $0x6800, s6;
	s30 =	sshrl.u32 s10, $0x1  }
0x9: {  	s9 =	sadd.s32 s9, s5;
	s7 =	sadd.s32 s8, s7;
	s8 =	ssub.s32 s10, s30  }
0xa: {  	s6 =	sadd.s32 s6, s9;
	s9 =	simm.s32 $0x3;
	s7 =	sshrl.u32 s7, $0x3  }
0xb: {  	s10 =	simm.s32 $0x340;
	s6 =	sadd.s32 $0x28E00, s6;
	s31 =	sadd.s32 s7, s5  }
0xc: {  	s5 =	smax.u32 s8, $0x1;
	s7 =	sadd.s32 $0xF8E00, s31;
	s8 =	sadd.s32 $0x3C00, s31  }
.LBB2_1:
0xd: {  	s15 =	sadd.s32 $0x0, s8  }
0xe: {  	[tilespmem:s2], [sflag:$0x3] =	stream.linear.gather [hbm4b:s15+s2], $0x340, $0x38;
	[tilespmem:$0x6E80] =	vst v63  }
0xf: {  	_ =	swait.ge [sflag:s9], $0x340  }
0x10: {  	[sflag:s9] =	ssyncset.done $0x0  }
0x11: {  	[sflag:s9] =	ssyncadd.s32 $0xFFFFFCC0  }
0x12: {  	[tilespmem:s10], [sflag:$0x1] =	stream.indirect.gather [hbm4b:s3+s10], $0x20, s2, s10, $0xb8;
	[tilespmem:$0x6E80] =	vst v63  }
0x13: {  	_ = 	snop  }
0x14: {  	[tilespmem:s11], [sflag:$0x2] =	stream.indirect.gather [hbm4b:s4+s10], $0x1, s2, s10, $0xb8;
	[tilespmem:$0x6E80] =	vst v63  }
0x15: {  	_ =	swait.ge [sflag:s12], $0x6800  }
0x16: {  	[sflag:s12] =	ssyncset.done $0x0  }
0x17: {  	[sflag:s12] =	ssyncadd.s32 $0xFFFF9800  }
0x18: {  	_ =	swait.ge [sflag:s13], $0x340  }
0x19: {  	[sflag:s13] =	ssyncset.done $0x0  }
0x1a: {  	[sflag:s13] =	ssyncadd.s32 $0xFFFFFCC0  }
0x1b: {  	[hbm4b:s6+s2] =	stream.linear.scatter [tilespmem:s10], [sflag:$0x3], $0x6800, $0x38;
	[tilespmem:$0x6E80] =	vst v63  }
0x1c: {  	_ =	swait.ge [sflag:s9], $0x6800  }
0x1d: {  	[sflag:s9] =	ssyncset.done $0x0  }
0x1e: {  	s31 =	sadd.s32 $0x0, s7;
	[sflag:s9] =	ssyncadd.s32 $0xFFFF9800  }
0x1f: {  	[hbm4b:s31+s2] =	stream.linear.scatter [tilespmem:s11], [sflag:$0x3], $0x340, $0x38;
	[tilespmem:$0x6E80] =	vst v63  }
0x20: {  	s17 =	simm.s32 $0xD0;
	_ =	swait.ge [sflag:s9], $0x340  }
0x21: {  	s16 =	sadd.s32 $0xD00, s6;
	s15 =	simm.s32 $0x68;
	[sflag:s9] =	ssyncset.done $0x0  }
.LBB2_2:
0x22: {  	s18 =	sadd.s32 s15, s8  }
0x23: {  	[sflag:s9] =	ssyncadd.s32 $0xFFFFFCC0;
	s19 =	smov.u32 s17;
	s20 =	sadd.s32 $0x68, s17  }
0x24: {  	[tilespmem:s2], [sflag:$0x3] =	stream.linear.gather [hbm4b:s18+s2], $0x340, $0x38;
	[tilespmem:$0x6E80] =	vst v63  }
0x25: {  	p0 =	sne.s32 s17, $0x2D8;
	_ =	swait.ge [sflag:s9], $0x340  }
0x26: {  	[sflag:s9] =	ssyncset.done $0x0  }
0x27: {  	[sflag:s9] =	ssyncadd.s32 $0xFFFFFCC0  }
0x28: {  	[tilespmem:s10], [sflag:$0x1] =	stream.indirect.gather [hbm4b:s3+s10], $0x20, s2, s10, $0xb8;
	[tilespmem:$0x6E80] =	vst v63  }
0x29: {  	_ = 	snop  }
0x2a: {  	[tilespmem:s11], [sflag:$0x2] =	stream.indirect.gather [hbm4b:s4+s10], $0x1, s2, s10, $0xb8;
	[tilespmem:$0x6E80] =	vst v63  }
0x2b: {  	_ =	swait.ge [sflag:s12], $0x6800  }
0x2c: {  	[sflag:s12] =	ssyncset.done $0x0  }
0x2d: {  	[sflag:s12] =	ssyncadd.s32 $0xFFFF9800  }
0x2e: {  	_ =	swait.ge [sflag:s13], $0x340  }
0x2f: {  	[sflag:s13] =	ssyncset.done $0x0  }
0x30: {  	[sflag:s13] =	ssyncadd.s32 $0xFFFFFCC0  }
0x31: {  	[hbm4b:s16+s2] =	stream.linear.scatter [tilespmem:s10], [sflag:$0x3], $0x6800, $0x38;
	[tilespmem:$0x6E80] =	vst v63  }
0x32: {  	_ =	swait.ge [sflag:s9], $0x6800  }
.Ltmp0:
0x33: {  	[sflag:s9] =	ssyncset.done $0x0;
	(pc) =	sbr.rel @p0 .LBB2_2-.Ltmp0, $4  }
0x34: {  	s17 =	sadd.s32 s15, s7;
	s15 =	smov.u32 s19;
	[sflag:s9] =	ssyncadd.s32 $0xFFFF9800  }
0x35: {  	[hbm4b:s17+s2] =	stream.linear.scatter [tilespmem:s11], [sflag:$0x3], $0x340, $0x38;
	[tilespmem:$0x6E80] =	vst v63  }
0x36: {  	_ =	swait.ge [sflag:s9], $0x340  }
0x37: {  	s16 =	sadd.s32 $0xD00, s16;
	s17 =	smov.u32 s20;
	[sflag:s9] =	ssyncset.done $0x0  }
0x38: {  	s17 =	sadd.s32 s15, s8;
	[sflag:s9] =	ssyncadd.s32 $0xFFFFFCC0  }
0x39: {  	[tilespmem:s2], [sflag:$0x3] =	stream.linear.gather [hbm4b:s17+s2], $0x340, $0x38;
	[tilespmem:$0x6E80] =	vst v63  }
0x3a: {  	_ =	swait.ge [sflag:s9], $0x340  }
0x3b: {  	[sflag:s9] =	ssyncset.done $0x0  }
0x3c: {  	[sflag:s9] =	ssyncadd.s32 $0xFFFFFCC0  }
0x3d: {  	[tilespmem:s10], [sflag:$0x1] =	stream.indirect.gather [hbm4b:s3+s10], $0x20, s2, s10, $0xb8;
	[tilespmem:$0x6E80] =	vst v63  }
0x3e: {  	_ = 	snop  }
0x3f: {  	[tilespmem:s11], [sflag:$0x2] =	stream.indirect.gather [hbm4b:s4+s10], $0x1, s2, s10, $0xb8;
	[tilespmem:$0x6E80] =	vst v63  }
0x40: {  	_ =	swait.ge [sflag:s12], $0x6800  }
0x41: {  	[sflag:s12] =	ssyncset.done $0x0  }
0x42: {  	[sflag:s12] =	ssyncadd.s32 $0xFFFF9800  }
0x43: {  	_ =	swait.ge [sflag:s13], $0x340  }
0x44: {  	[sflag:s13] =	ssyncset.done $0x0  }
0x45: {  	[sflag:s13] =	ssyncadd.s32 $0xFFFFFCC0  }
0x46: {  	[hbm4b:s16+s2] =	stream.linear.scatter [tilespmem:s10], [sflag:$0x3], $0x6800, $0x38;
	[tilespmem:$0x6E80] =	vst v63  }
0x47: {  	s14 =	sadd.s32 $0x1, s14;
	_ =	swait.ge [sflag:s9], $0x6800  }
0x48: {  	p0 =	sne.s32 s14, s5;
	[sflag:s9] =	ssyncset.done $0x0  }
.Ltmp1:
0x49: {  	s31 =	sadd.s32 s15, s7;
	[sflag:s9] =	ssyncadd.s32 $0xFFFF9800;
	(pc) =	sbr.rel @p0 .LBB2_1-.Ltmp1, $4  }
0x4a: {  	[hbm4b:s31+s2] =	stream.linear.scatter [tilespmem:s11], [sflag:$0x3], $0x340, $0x38;
	[tilespmem:$0x6E80] =	vst v63  }
0x4b: {  	_ =	swait.ge [sflag:s9], $0x340  }
0x4c: {  	[sflag:s9] =	ssyncset.done $0x0  }
0x4d: {  	[sflag:s9] =	ssyncadd.s32 $0xFFFFFCC0  }
0x4e: {  	_ =	sfence.sel $0x180000  }
0x4f: {  	[bflag:$0x0] =	sbarrier.arrive $0xFFFF  }
0x50: {  	p0 =	sne.s32 s1, $0x0;
	_ =	strace $0x90000047  }
0x51: {  	s0 =	sadd.s32 @!p0 $0x100000, s0;
	[bflag:$0x2] =	sbarrier.arrive $0xFFFF  }
0x52: {  	[sflag:s0] =	ssyncadd.tile.s32 @!p0 $0x1;
	_ =	shalt  }
.Lfunc_end2:
_tile_overlayer_lowered:
.L_overlay_start_2:
0x53: {  	(tag) =	ssettag $0x2  }
0x54: {  	s0 =	rddreg [dreg:$0x0];
	s2 =	stileid.u32  }
0x55: {  	s1 =	rddreg [dreg:$0x1];
	p0 =	sne.s32 s2, $0x0  }
0x56: {  	s3 =	rddreg [dreg:$0x2];
	[bflag:$0x3] =	sbarrier.arrive $0xFFFF;
	s2 =	simm.s32 @!p0 $0x1C03  }
0x57: {  	[timem:s3], [sflag:s2] =	dma.local @!p0 [hbm:s0], s1  }
0x58: {  	s0 =	simm.s32 @!p0 $0x3  }
0x59: {  	_ =	swait.ge @!p0 [sflag:s0], s1  }
0x5a: {  	s1 =	ssub.s32 @!p0 $0x0, s1;
	[sflag:s0] =	ssyncset.done @!p0 $0x0  }
0x5b: {  	[sflag:s0] =	ssyncadd.s32 @!p0 s1  }
0x5c: {  	[bflag:$0x3] =	sbarrier.arrive $0xFFFF  }
0x5d: {  	_ =	shalt  }

// kernel: kernel.9.cloned.1.call-start
scs
__scs_entry_jumppad:
0x0: {  	(pc) =	sbr.rel $0x88, $3  }
0x1: {  	(tag) =	ssettag $0x0;
	lr =	simm.s32 $0x1  }
0x2: {  	[smem:$0x3F8F] =	sst lr;
	_ =	strace $0xD0000000  }
0x3: {  	_ = 	snop  }
0x4: {  	_ = 	snop  }
0x5: {  	_ = 	snop  }
0x6: {  	_ = 	snop  }
0x7: {  	_ = 	snop  }
__scs_overlays_trampoline_lowered:
0x8: {  	[smem:$0x3F9E] =	sst s0  }
0x9: {  	[smem:$0x3F9F] =	sst s1  }
0xa: {  	[smem:$0x3FA0] =	sst s2  }
0xb: {  	[smem:$0x3FA1] =	sst s3  }
0xc: {  	[smem:$0x3FA2] =	sst s4  }
0xd: {  	[smem:$0x3FA3] =	sst s5  }
0xe: {  	[smem:$0x3FA4] =	sst s6  }
0xf: {  	[smem:$0x3FA5] =	sst s7  }
0x10: {  	[smem:$0x3FA6] =	sst s8  }
0x11: {  	[smem:$0x3FA7] =	sst s9;
	s0 =	simm.s32 @!p0 $0x0  }
0x12: {  	s1 =	sld [smem:$0x3F8D];
	s0 =	simm.s32 @p0 $0x1  }
0x13: {  	[smem:$0x3FA8] =	sst s0;
	s0 =	simm.s32 @!p1 $0x0  }
0x14: {  	s2 =	sld [smem:$0x3F8C];
	s0 =	simm.s32 @p1 $0x1  }
0x15: {  	[smem:$0x3FA9] =	sst s0;
	s0 =	simm.s32 @!p2 $0x0  }
0x16: {  	s3 =	sld [smem:$0x3FDB];
	s0 =	simm.s32 @p2 $0x1  }
0x17: {  	s4 =	simm.s32 $0x1BF5;
	[smem:$0x3FAB] =	sst s0  }
0x18: {  	s0 =	sld [smem:$0x3F8E];
	_ =	swait.ge [sflag:s4], $0x0  }
0x19: {  	s7 =	sld [smem:$0x3F8F]  }
0x1a: {  	s8 =	sadd.s32 $0xFFFFE003, lr  }
0x1b: {  	s9 =	sadd.s32 $0xFFFFFEF7, lr;
	s5 =	simm.s32 $0xFFFFFFFF;
	p2 =	slt.u32 s8, $0xFFFFF086  }
0x1c: {  	p1 =	slt.u32 s9, $0xF7A;
	s5 =	simm.s32 @!p2 $0x0  }
0x1d: {  	s5 =	simm.s32 @p1 $0x1;
	p0 =	seq.s32 s7, s2  }
0x1e: {  	s7 =	smul.u32 @!p0 $0xF7A, s2;
	p2 =	seq.s32 @!p0 s5, $0x0  }
0x1f: {  	s9 =	smul.u32 $0xF7A, s1;
	s8 =	simm.s32 @!p0 $0x1BF5;
	p2 =	por !p2, p0  }
0x20: {  	[sflag:s8] =	ssyncset.s32 @!p0 $0xFFFFF086;
	s6 =	sadd.s32 @!p0 s3, s7;
	s7 =	simm.s32 @!p0 $0x108  }
0x21: {  	s3 =	sadd.s32 s3, s9;
	s6 =	sadd.s32 @!p0 $0x88, s6;
	s7 =	simm.s32 @p2 $0x1082  }
0x22: {  	[simem:s7], [sflag:s8] =	dma.local @!p0 [hbm:s6], $0xF7A  }
0x23: {  	s9 =	sor.u32 $0xD0000000, s2;
	s6 =	simm.s32 $0x108;
	_ =	swait.ge @!p0 [sflag:s8], $0x0  }
0x24: {  	s3 =	sadd.s32 $0x88, s3;
	s6 =	simm.s32 @!p1 $0x1082;
	[sflag:s4] =	ssyncset.s32 $0xFFFFF086  }
0x25: {  	[simem:s6], [sflag:s4] =	dma.local [hbm:s3], $0xF7A  }
0x26: {  	[smem:$0x3F8F] =	sst s1;
	(tag) =	ssettag s2;
	_ =	strace s9  }
0x27: {  	s1 =	sld [smem:$0x3F9F]  }
0x28: {  	s2 =	sld [smem:$0x3FA0]  }
0x29: {  	s4 =	sld [smem:$0x3FA2]  }
0x2a: {  	p0 =	seq.s32 s5, $0x0;
	s5 =	sld [smem:$0x3FA3]  }
0x2b: {  	s6 =	sld [smem:$0x3FA4]  }
0x2c: {  	s7 =	sld [smem:$0x3FA5]  }
0x2d: {  	s3 =	simm.s32 $0x108;
	s8 =	sld [smem:$0x3FA6]  }
0x2e: {  	s3 =	simm.s32 @!p0 $0x1082;
	s9 =	sld [smem:$0x3FA7]  }
0x2f: {  	lr =	sadd.s32 s0, s3;
	s0 =	sld [smem:$0x3F9E]  }
0x30: {  	s3 =	sld [smem:$0x3FA1]  }
0x31: {  	[smem:$0x3FAA] =	sst s10  }
0x32: {  	s10 =	sld [smem:$0x3FA8];
	_ =	sdelay $0x3  }
0x33: {  	p0 =	seq.s32 s10, $0x1;
	s10 =	sld [smem:$0x3FAA];
	_ =	sdelay $0x3  }
0x34: {  	[smem:$0x3FAA] =	sst s10  }
0x35: {  	s10 =	sld [smem:$0x3FA9];
	_ =	sdelay $0x3  }
0x36: {  	p1 =	seq.s32 s10, $0x1;
	s10 =	sld [smem:$0x3FAA];
	_ =	sdelay $0x3  }
0x37: {  	[smem:$0x3FAA] =	sst s10  }
0x38: {  	s10 =	sld [smem:$0x3FAB]  }
0x39: {  	_ = 	snop;
	(pc) =	sbr.ind lr, $3  }
0x3a: {  	_ = 	snop  }
0x3b: {  	_ = 	snop  }
0x3c: {  	p2 =	seq.s32 s10, $0x1;
	s10 =	sld [smem:$0x3FAA]  }
0x3d: {  	_ =	shalt  }
0x3e: {  	_ =	shalt  }
0x3f: {  	_ =	shalt  }
0x40: {  	_ =	shalt  }
0x41: {  	_ =	shalt  }
0x42: {  	_ =	shalt  }
0x43: {  	_ =	shalt  }
0x44: {  	_ =	shalt  }
0x45: {  	_ =	shalt  }
0x46: {  	_ =	shalt  }
0x47: {  	_ =	shalt  }
0x48: {  	_ =	shalt  }
0x49: {  	_ =	shalt  }
0x4a: {  	_ =	shalt  }
0x4b: {  	_ =	shalt  }
0x4c: {  	_ =	shalt  }
0x4d: {  	_ =	shalt  }
0x4e: {  	_ =	shalt  }
0x4f: {  	_ =	shalt  }
0x50: {  	_ =	shalt  }
0x51: {  	_ =	shalt  }
0x52: {  	_ =	shalt  }
0x53: {  	_ =	shalt  }
0x54: {  	_ =	shalt  }
0x55: {  	_ =	shalt  }
0x56: {  	_ =	shalt  }
0x57: {  	_ =	shalt  }
0x58: {  	_ =	shalt  }
0x59: {  	_ =	shalt  }
0x5a: {  	_ =	shalt  }
0x5b: {  	_ =	shalt  }
0x5c: {  	_ =	shalt  }
0x5d: {  	_ =	shalt  }
0x5e: {  	_ =	shalt  }
0x5f: {  	_ =	shalt  }
0x60: {  	_ =	shalt  }
0x61: {  	_ =	shalt  }
0x62: {  	_ =	shalt  }
0x63: {  	_ =	shalt  }
0x64: {  	_ =	shalt  }
0x65: {  	_ =	shalt  }
0x66: {  	_ =	shalt  }
0x67: {  	_ =	shalt  }
0x68: {  	_ =	shalt  }
0x69: {  	_ =	shalt  }
0x6a: {  	_ =	shalt  }
0x6b: {  	_ =	shalt  }
0x6c: {  	_ =	shalt  }
0x6d: {  	_ =	shalt  }
0x6e: {  	_ =	shalt  }
0x6f: {  	_ =	shalt  }
0x70: {  	_ =	shalt  }
0x71: {  	_ =	shalt  }
0x72: {  	_ =	shalt  }
0x73: {  	_ =	shalt  }
0x74: {  	_ =	shalt  }
0x75: {  	_ =	shalt  }
0x76: {  	_ =	shalt  }
0x77: {  	_ =	shalt  }
0x78: {  	_ =	shalt  }
0x79: {  	_ =	shalt  }
0x7a: {  	_ =	shalt  }
0x7b: {  	_ =	shalt  }
0x7c: {  	_ =	shalt  }
0x7d: {  	_ =	shalt  }
0x7e: {  	_ =	shalt  }
0x7f: {  	_ =	shalt  }
0x80: {  	_ =	shalt  }
0x81: {  	_ =	shalt  }
0x82: {  	_ =	shalt  }
0x83: {  	_ =	shalt  }
0x84: {  	_ =	shalt  }
0x85: {  	_ =	shalt  }
0x86: {  	_ =	shalt  }
0x87: {  	_ =	shalt  }
.Lfunc_end0:
.L_simem_size_0:
called_computation.1_lowered:
.L_overlay_start_0:
0x88: {  	s2 =	sld [smem:$0x3FD9]  }
0x89: {  	s3 =	sld [smem:$0x3FFE];
	_ =	sdelay $0x1  }
0x8a: {  	s1 =	srdreg.scid  }
0x8b: {  	s0 =	sand.u32 $0x1, s1  }
0x8c: {  	s17 =	sshll.u32 s0, $0xA;
	s2 =	sadd.s32 s3, s2  }
0x8d: {  	s2 =	sadd.s32 s2, s17  }
0x8e: {  	[smem:$0x3FB6] =	sst s2  }
0x8f: {  	_ = 	snop  }
0x90: {  	(tm) =	ssettm $0x1  }
0x91: {  	s18 =	sld [smem:$0x3FFB];
	_ =	sdelay $0x3  }
0x92: {  	_ =	strace s18  }
0x93: {  	s2 =	sld [smem:$0x3FFC];
	_ =	sdelay $0x3  }
0x94: {  	_ =	strace s2  }
0x95: {  	s2 =	sld [smem:$0x3FFD];
	_ =	sdelay $0x3  }
0x96: {  	_ =	strace s2  }
0x97: {  	_ =	strace $0x8FFFFFFF  }
0x98: {  	s19 =	sld [smem:$0x3FDB];
	_ =	sdelay $0x1  }
0x99: {  	s20 =	simm.s32 $_scs_section_size  }
0x9a: {  	s4 =	simm.s32 $_size__tile_overlayer_lowered;
	s5 =	simm.s32 $_tile_overlayer_lowered  }
0x9b: {  	s6 =	simm.s32 $0x1BFF;
	s21 =	sshll.u32 s5, $0x1;
	s3 =	sadd.s32 s20, s19  }
0x9c: {  	s22 =	simm.s32 $0x0;
	s4 =	sshll.u32 s4, $0x1;
	s5 =	sadd.s32 s21, s3  }
0x9d: {  	[timem:s22], [sflag:s6] =	dma.local [hbm:s5], s4  }
0x9e: {  	_ =	swait.ge [sflag:s6], s4  }
0x9f: {  	s4 =	ssub.s32 $0x0, s4;
	[sflag:s6] =	ssyncset.done $0x0  }
0xa0: {  	[sflag:s6] =	ssyncadd.s32 s4;
	_ =	sdelay $0x1  }
0xa1: {  	s23 =	simm.s32 $0x1B8B  }
0xa2: {  	_ =	swait.ge [sflag:s23], $0x1  }
0xa3: {  	[sflag:s23] =	ssyncset.done $0x0  }
0xa4: {  	[sflag:s23] =	ssyncadd.s32 $0xFFFFFFFF  }
0xa5: {  	s4 =	sld [smem:$0x0]  }
0xa6: {  	s5 =	sand.u32 $0xFFFFFFFE, s1  }
0xa7: {  	p0 =	sne.s32 s1, s5  }
0xa8: {  	s5 =	sshll.u32 @p0 s5, $0xE  }
0xa9: {  	s5 =	sadd.s32 @p0 $0x11B8D, s5;
	s6 =	sshll.u32 @p0 s4, $0x11  }
0xaa: {  	s5 =	sor.u32 @p0 s6, s5  }
0xab: {  	[sflag:s5] =	ssyncadd.remote.s32 @p0 $0x1;
	_ =	sdelay $0x1  }
0xac: {  	s5 =	simm.s32 @p0 $0x1B8D  }
0xad: {  	_ =	swait.eq @p0 [sflag:s5], $0x1  }
0xae: {  	[sflag:s5] =	ssyncadd.s32 @p0 $0xFFFFFFFF  }
0xaf: {  	s6 =	sshll.u32 @!p0 s1, $0xE  }
0xb0: {  	s6 =	sor.u32 @!p0 $0x4000, s6;
	s5 =	simm.s32 @!p0 $0x1B8D  }
0xb1: {  	s4 =	sshll.u32 @!p0 s4, $0x11;
	s6 =	sadd.s32 @!p0 $0x11B8D, s6;
	_ =	swait.eq @!p0 [sflag:s5], $0x1  }
0xb2: {  	s4 =	sor.u32 @!p0 s4, s6;
	[sflag:s5] =	ssyncadd.s32 @!p0 $0xFFFFFFFF  }
0xb3: {  	s25 =	simm.s32 $0x1B8E;
	s24 =	sld [smem:$0x3FFE];
	[sflag:s4] =	ssyncadd.remote.s32 @!p0 $0x1  }
0xb4: {  	s26 =	simm.s32 $execute0_lowered;
	[smem:$0x3FD2] =	sst s25  }
0xb5: {  	s5 =	sshll.u32 s26, $0x1;
	_ =	strace $0x80000049;
	[dreg:$0x1] =	wrdreg $0xFFFFFFFF  }
0xb6: {  	s28 =	simm.s32 $_size_execute0_lowered;
	s3 =	sadd.s32 s3, s5;
	[dreg:$0x0] =	wrdreg $0x0  }
0xb7: {  	s5 =	sshll.u32 s28, $0x1;
	[dreg:$0x2] =	wrdreg s3  }
0xb8: {  	[dreg:$0x3] =	wrdreg s5  }
0xb9: {  	[dreg:$0x4] =	wrdreg $0xC0  }
0xba: {  	_ =	task [dreg:s22], $0x5FFFF  }
0xbb: {  	[dreg:$0x1] =	wrdreg $0xFFFFFFFF  }
0xbc: {  	[dreg:$0x0] =	wrdreg $0x60  }
0xbd: {  	[dreg:$0x2] =	wrdreg s24  }
0xbe: {  	[dreg:$0x3] =	wrdreg $0xA  }
0xbf: {  	_ =	task.clear_ibuf [dreg:s22], $0x4FFFF;
	_ =	strace $0x90000049  }
0xc0: {  	s29 =	simm.s32 $0xA;
	_ =	strace $0x8000004B  }
0xc1: {  	_ =	swait.ge [sflag:s29], $0x1  }
0xc2: {  	[sflag:s29] =	ssyncadd.s32 $0xFFFFFFFF  }
0xc3: {  	_ =	strace $0x9000004B  }
0xc4: {  	_ =	sfence  }
0xc5: {  	s30 =	sld [smem:$0x0];
	_ =	sdelay $0x2  }
0xc6: {  	s31 =	sshll.u32 s1, $0xD;
	s1 =	sshrl.u32 s1, $0x2  }
0xc7: {  	s4 =	sand.u32 $0x4000, s31;
	s1 =	sadd.s32 s1, s30  }
0xc8: {  	s0 =	sor.u32 s4, s0;
	s1 =	sshll.u32 s1, $0x11  }
0xc9: {  	s0 =	sor.u32 s1, s0  }
0xca: {  	s0 =	sadd.s32 $0x8F2B, s0  }
0xcb: {  	[sflag:s0] =	ssyncadd.remote.s32 $0x1  }
0xcc: {  	_ =	sfence.sel $0xFFFF  }
0xcd: {  	[dreg:$0x0] =	wrdreg $0xFFFFFFFF;
	(pc) =	sbr.abs _section_cstart, $3  }
0xce: {  	[dreg:$0x1] =	wrdreg $0xFFFFFFFF  }
0xcf: {  	_ =	task.clear_ibuf [dreg:s22], $0x2FFFF;
	_ =	strace $0x9FFFFFFF  }
0xd0: {  	(tm) =	ssettm $0x7FFFFFFF  }
0xd1: {  	_ =	shalt  }
tec
execute0_lowered:
.L_overlay_start_1:
0x0: {  	(tag) =	ssettag $0x1  }
0x1: {  	s5 =	rddreg [dreg:$0x0]  }
0x2: {  	s0 =	rddreg [dreg:$0x1]  }
0x3: {  	s3 =	srdreg.scid;
	s1 =	stileid.u32;
	s2 =	simm.s32 $0x0  }
0x4: {  	s11 =	simm.s32 $0x6B40;
	s12 =	simm.s32 $0x1;
	s13 =	simm.s32 $0x2  }
0x5: {  	s14 =	simm.s32 $0x0;
	s6 =	sand.u32 $0x1, s3;
	s7 =	smul.u32 $0x3400, s1  }
0x6: {  	[smem:$0x7FF] =	sst s2;
	s9 =	smul.u32 $0xD000, s1;
	s3 =	sadd.s32 $0xF46000, s5  }
0x7: {  	s4 =	sadd.s32 $0xA400, s5;
	s8 =	smul.u32 $0x1A00, s6;
	_ =	strace $0x8000004A  }
0x8: {  	s10 =	smul.u32 $0x6800, s6;
	s6 =	ssub.s32 $0x2, s6;
	s29 =	sadd.s32 s9, s5  }
0x9: {  	s30 =	sshrl.u32 s6, $0x1;
	s9 =	simm.s32 $0x3;
	s7 =	sadd.s32 s8, s7  }
0xa: {  	s8 =	sadd.s32 s10, s29;
	s6 =	ssub.s32 s6, s30;
	s7 =	sshrl.u32 s7, $0x3  }
0xb: {  	s10 =	simm.s32 $0x340;
	s31 =	sadd.s32 s7, s5;
	s5 =	sadd.s32 $0x105E00, s8  }
0xc: {  	s6 =	smax.u32 s6, $0x1;
	s7 =	sadd.s32 $0x1D5E00, s31;
	s8 =	sadd.s32 $0xFF600, s31  }
.LBB2_1:
0xd: {  	s15 =	sadd.s32 $0x0, s8  }
0xe: {  	[tilespmem:s2], [sflag:$0x3] =	stream.linear.gather [hbm4b:s15+s2], $0x340, $0x38;
	[tilespmem:$0x6E80] =	vst v63  }
0xf: {  	_ =	swait.ge [sflag:s9], $0x340  }
0x10: {  	[sflag:s9] =	ssyncset.done $0x0  }
0x11: {  	[sflag:s9] =	ssyncadd.s32 $0xFFFFFCC0  }
0x12: {  	[tilespmem:s10], [sflag:$0x1] =	stream.indirect.gather [hbm4b:s3+s10], $0x20, s2, s10, $0xb8;
	[tilespmem:$0x6E80] =	vst v63  }
0x13: {  	_ = 	snop  }
0x14: {  	[tilespmem:s11], [sflag:$0x2] =	stream.indirect.gather [hbm4b:s4+s10], $0x1, s2, s10, $0xb8;
	[tilespmem:$0x6E80] =	vst v63  }
0x15: {  	_ =	swait.ge [sflag:s12], $0x6800  }
0x16: {  	[sflag:s12] =	ssyncset.done $0x0  }
0x17: {  	[sflag:s12] =	ssyncadd.s32 $0xFFFF9800  }
0x18: {  	_ =	swait.ge [sflag:s13], $0x340  }
0x19: {  	[sflag:s13] =	ssyncset.done $0x0  }
0x1a: {  	[sflag:s13] =	ssyncadd.s32 $0xFFFFFCC0  }
0x1b: {  	[hbm4b:s5+s2] =	stream.linear.scatter [tilespmem:s10], [sflag:$0x3], $0x6800, $0x38;
	[tilespmem:$0x6E80] =	vst v63  }
0x1c: {  	_ =	swait.ge [sflag:s9], $0x6800  }
0x1d: {  	[sflag:s9] =	ssyncset.done $0x0  }
0x1e: {  	s31 =	sadd.s32 $0x0, s7;
	[sflag:s9] =	ssyncadd.s32 $0xFFFF9800  }
0x1f: {  	[hbm4b:s31+s2] =	stream.linear.scatter [tilespmem:s11], [sflag:$0x3], $0x340, $0x38;
	[tilespmem:$0x6E80] =	vst v63  }
0x20: {  	s17 =	simm.s32 $0xD0;
	_ =	swait.ge [sflag:s9], $0x340  }
0x21: {  	s16 =	sadd.s32 $0xD00, s5;
	s15 =	simm.s32 $0x68;
	[sflag:s9] =	ssyncset.done $0x0  }
.LBB2_2:
0x22: {  	s18 =	sadd.s32 s15, s8  }
0x23: {  	[sflag:s9] =	ssyncadd.s32 $0xFFFFFCC0;
	s19 =	smov.u32 s17;
	s20 =	sadd.s32 $0x68, s17  }
0x24: {  	[tilespmem:s2], [sflag:$0x3] =	stream.linear.gather [hbm4b:s18+s2], $0x340, $0x38;
	[tilespmem:$0x6E80] =	vst v63  }
0x25: {  	p0 =	sne.s32 s17, $0x2D8;
	_ =	swait.ge [sflag:s9], $0x340  }
0x26: {  	[sflag:s9] =	ssyncset.done $0x0  }
0x27: {  	[sflag:s9] =	ssyncadd.s32 $0xFFFFFCC0  }
0x28: {  	[tilespmem:s10], [sflag:$0x1] =	stream.indirect.gather [hbm4b:s3+s10], $0x20, s2, s10, $0xb8;
	[tilespmem:$0x6E80] =	vst v63  }
0x29: {  	_ = 	snop  }
0x2a: {  	[tilespmem:s11], [sflag:$0x2] =	stream.indirect.gather [hbm4b:s4+s10], $0x1, s2, s10, $0xb8;
	[tilespmem:$0x6E80] =	vst v63  }
0x2b: {  	_ =	swait.ge [sflag:s12], $0x6800  }
0x2c: {  	[sflag:s12] =	ssyncset.done $0x0  }
0x2d: {  	[sflag:s12] =	ssyncadd.s32 $0xFFFF9800  }
0x2e: {  	_ =	swait.ge [sflag:s13], $0x340  }
0x2f: {  	[sflag:s13] =	ssyncset.done $0x0  }
0x30: {  	[sflag:s13] =	ssyncadd.s32 $0xFFFFFCC0  }
0x31: {  	[hbm4b:s16+s2] =	stream.linear.scatter [tilespmem:s10], [sflag:$0x3], $0x6800, $0x38;
	[tilespmem:$0x6E80] =	vst v63  }
0x32: {  	_ =	swait.ge [sflag:s9], $0x6800  }
.Ltmp0:
0x33: {  	[sflag:s9] =	ssyncset.done $0x0;
	(pc) =	sbr.rel @p0 .LBB2_2-.Ltmp0, $4  }
0x34: {  	s17 =	sadd.s32 s15, s7;
	s15 =	smov.u32 s19;
	[sflag:s9] =	ssyncadd.s32 $0xFFFF9800  }
0x35: {  	[hbm4b:s17+s2] =	stream.linear.scatter [tilespmem:s11], [sflag:$0x3], $0x340, $0x38;
	[tilespmem:$0x6E80] =	vst v63  }
0x36: {  	_ =	swait.ge [sflag:s9], $0x340  }
0x37: {  	s16 =	sadd.s32 $0xD00, s16;
	s17 =	smov.u32 s20;
	[sflag:s9] =	ssyncset.done $0x0  }
0x38: {  	s17 =	sadd.s32 s15, s8;
	[sflag:s9] =	ssyncadd.s32 $0xFFFFFCC0  }
0x39: {  	[tilespmem:s2], [sflag:$0x3] =	stream.linear.gather [hbm4b:s17+s2], $0x340, $0x38;
	[tilespmem:$0x6E80] =	vst v63  }
0x3a: {  	_ =	swait.ge [sflag:s9], $0x340  }
0x3b: {  	[sflag:s9] =	ssyncset.done $0x0  }
0x3c: {  	[sflag:s9] =	ssyncadd.s32 $0xFFFFFCC0  }
0x3d: {  	[tilespmem:s10], [sflag:$0x1] =	stream.indirect.gather [hbm4b:s3+s10], $0x20, s2, s10, $0xb8;
	[tilespmem:$0x6E80] =	vst v63  }
0x3e: {  	_ = 	snop  }
0x3f: {  	[tilespmem:s11], [sflag:$0x2] =	stream.indirect.gather [hbm4b:s4+s10], $0x1, s2, s10, $0xb8;
	[tilespmem:$0x6E80] =	vst v63  }
0x40: {  	_ =	swait.ge [sflag:s12], $0x6800  }
0x41: {  	[sflag:s12] =	ssyncset.done $0x0  }
0x42: {  	[sflag:s12] =	ssyncadd.s32 $0xFFFF9800  }
0x43: {  	_ =	swait.ge [sflag:s13], $0x340  }
0x44: {  	[sflag:s13] =	ssyncset.done $0x0  }
0x45: {  	[sflag:s13] =	ssyncadd.s32 $0xFFFFFCC0  }
0x46: {  	[hbm4b:s16+s2] =	stream.linear.scatter [tilespmem:s10], [sflag:$0x3], $0x6800, $0x38;
	[tilespmem:$0x6E80] =	vst v63  }
0x47: {  	s14 =	sadd.s32 $0x1, s14;
	_ =	swait.ge [sflag:s9], $0x6800  }
0x48: {  	p0 =	sne.s32 s14, s6;
	[sflag:s9] =	ssyncset.done $0x0  }
.Ltmp1:
0x49: {  	s31 =	sadd.s32 s15, s7;
	[sflag:s9] =	ssyncadd.s32 $0xFFFF9800;
	(pc) =	sbr.rel @p0 .LBB2_1-.Ltmp1, $4  }
0x4a: {  	[hbm4b:s31+s2] =	stream.linear.scatter [tilespmem:s11], [sflag:$0x3], $0x340, $0x38;
	[tilespmem:$0x6E80] =	vst v63  }
0x4b: {  	_ =	swait.ge [sflag:s9], $0x340  }
0x4c: {  	[sflag:s9] =	ssyncset.done $0x0  }
0x4d: {  	[sflag:s9] =	ssyncadd.s32 $0xFFFFFCC0  }
0x4e: {  	_ =	sfence.sel $0x180000  }
0x4f: {  	[bflag:$0x0] =	sbarrier.arrive $0xFFFF  }
0x50: {  	p0 =	sne.s32 s1, $0x0;
	_ =	strace $0x9000004A  }
0x51: {  	s0 =	sadd.s32 @!p0 $0x100000, s0;
	[bflag:$0x2] =	sbarrier.arrive $0xFFFF  }
0x52: {  	[sflag:s0] =	ssyncadd.tile.s32 @!p0 $0x1;
	_ =	shalt  }
.Lfunc_end2:
_tile_overlayer_lowered:
.L_overlay_start_2:
0x53: {  	(tag) =	ssettag $0x2  }
0x54: {  	s0 =	rddreg [dreg:$0x0];
	s2 =	stileid.u32  }
0x55: {  	s1 =	rddreg [dreg:$0x1];
	p0 =	sne.s32 s2, $0x0  }
0x56: {  	s3 =	rddreg [dreg:$0x2];
	[bflag:$0x3] =	sbarrier.arrive $0xFFFF;
	s2 =	simm.s32 @!p0 $0x1C03  }
0x57: {  	[timem:s3], [sflag:s2] =	dma.local @!p0 [hbm:s0], s1  }
0x58: {  	s0 =	simm.s32 @!p0 $0x3  }
0x59: {  	_ =	swait.ge @!p0 [sflag:s0], s1  }
0x5a: {  	s1 =	ssub.s32 @!p0 $0x0, s1;
	[sflag:s0] =	ssyncset.done @!p0 $0x0  }
0x5b: {  	[sflag:s0] =	ssyncadd.s32 @!p0 s1  }
0x5c: {  	[bflag:$0x3] =	sbarrier.arrive $0xFFFF  }
0x5d: {  	_ =	shalt  }

</sc_bundles>
